<compile_context>
chip_gen: v7x
topology: tpu7x:2x2x1
jax: 0.10.2.dev20260603
libtpu: 0.0.44.dev20260713+nightly
codegen_flags: <defaults>
</compile_context>

<pallas_src>
import functools

import jax
import jax.numpy as jnp
from jax import lax
from jax.experimental import pallas as pl
from jax.experimental.pallas import tpu as pltpu
from jax.experimental.pallas import tpu_sc as plsc

B, P, F = 1024, 128, 6
K = 3

NC, NS = 2, 16
NW = NC * NS
NE = B * K * P
RPW = NE // NW
CH = 2048
GD = 8

CA = 32
CB = 64


def _knn_body(x_ref, cr_ref, idx_ref, x8_ref):
    x = x_ref[...]
    zeros = jnp.zeros((CA, P, GD - F), jnp.float32)
    x8_ref[...] = jnp.concatenate([x, zeros], axis=-1).reshape(CA * P, GD)
    cc = x[:, :, 1:3]
    cr = cr_ref[...]
    iota_s = lax.broadcasted_iota(jnp.int32, (CA, P, P), 1)
    iota_l = lax.broadcasted_iota(jnp.int32, (CA, P, P), 2)
    dx = cc[:, :, 0:1] - cr[:, 0:1, :]
    dy = cc[:, :, 1:2] - cr[:, 1:2, :]
    d2 = dx * dx + dy * dy
    d2 = d2 + jnp.where(iota_s == iota_l, jnp.float32(1e9), jnp.float32(0.0))
    base = (pl.program_id(0) * CA
            + lax.broadcasted_iota(jnp.int32, (CA, 1, P), 0)) * P
    cols = []
    for k in range(K):
        m = jnp.min(d2, axis=1, keepdims=True)
        idx = jnp.min(jnp.where(d2 == m, iota_s, P), axis=1, keepdims=True)
        cols.append(idx + base)
        if k < K - 1:
            d2 = jnp.where(iota_s == idx, jnp.float32(2e9), d2)
    idx_ref[...] = jnp.concatenate(cols, axis=1).reshape(CA * K, P)


def _sc_gather_body(ne, idx_hbm, x16_hbm, out_hbm, idx_v, rows_v, sem):
    wid = lax.axis_index("s") * NC + lax.axis_index("c")
    rpw = ne // NW
    for t in range(rpw // CH):
        base = wid * rpw + t * CH
        pltpu.sync_copy(idx_hbm.at[pl.ds(base, CH)], idx_v)
        pltpu.async_copy(x16_hbm.at[idx_v], rows_v, sem).wait()
        pltpu.sync_copy(rows_v, out_hbm.at[pl.ds(base, CH)])


def _mlp_body(x8p_ref, xj_ref, W1a_ref, W1b_ref, b1_ref, W2_ref, b2_ref,
              W3_ref, b3_ref, out_ref):
    selfp = x8p_ref[...]
    AP = jnp.dot(selfp, W1a_ref[...],
                 preferred_element_type=jnp.float32) + b1_ref[...]
    xjp = xj_ref[...]
    G = jnp.dot(xjp, W1b_ref[...],
                preferred_element_type=jnp.float32)
    h1 = jnp.maximum(G.reshape(CB, K, 8, 512)
                     + AP.reshape(CB, 1, 8, 512), 0.0)
    h2 = jnp.maximum(
        jnp.dot(h1.reshape(CB * K * 8, 512), W2_ref[...],
                preferred_element_type=jnp.float32) + b2_ref[...], 0.0)
    ps = jnp.sum(h2.reshape(CB, K * 8, 512), axis=1)
    pooled = ps[:, 0:32]
    for sslot in range(1, 16):
        pooled = pooled + ps[:, 32 * sslot:32 * (sslot + 1)]
    pooled = pooled * jnp.float32(1.0 / (K * P))
    logits = jnp.dot(pooled, W3_ref[...],
                     preferred_element_type=jnp.float32) + b3_ref[...]
    z = logits - jnp.max(logits, axis=1, keepdims=True)
    e = jnp.exp(z)
    out_ref[...] = e / jnp.sum(e, axis=1, keepdims=True)


@jax.jit
def kernel(x, W1, b1, W2, b2, W3, b3):
    eye16 = jnp.eye(16, dtype=jnp.float32)
    W1ab8 = jnp.pad(W1[:F] - W1[F:], ((0, GD - F), (0, 0)))
    W1b8 = jnp.pad(W1[F:], ((0, GD - F), (0, 0)))
    W1a_blk = jnp.kron(eye16, W1ab8)
    W1b_blk = jnp.kron(eye16, W1b8)
    W2_blk = jnp.kron(eye16, W2)
    b1t = jnp.tile(b1, 16).reshape(1, 512)
    b2t = jnp.tile(b2, 16).reshape(1, 512)
    b3r = b3.reshape(1, 2)
    cRT = x[:, :, 1:3].transpose(0, 2, 1)
    x8p = jnp.pad(x, ((0, 0), (0, 0), (0, GD - F))).reshape(B * 8, 128)

    mesh = plsc.VectorSubcoreMesh(core_axis_name="c", subcore_axis_name="s",
                                  num_cores=NC, num_subcores=NS)

    def stage_a(xh, crh, hb):
        return pl.pallas_call(
            _knn_body,
            grid=(hb // CA,),
            in_specs=[
                pl.BlockSpec((CA, P, F), lambda i: (i, 0, 0)),
                pl.BlockSpec((CA, 2, P), lambda i: (i, 0, 0)),
            ],
            out_specs=[
                pl.BlockSpec((CA * K, P), lambda i: (i, 0)),
                pl.BlockSpec((CA * P, GD), lambda i: (i, 0)),
            ],
            out_shape=[
                jax.ShapeDtypeStruct((hb * K, P), jnp.int32),
                jax.ShapeDtypeStruct((hb * P, GD), jnp.float32),
            ],
        )(xh, crh)

    def stage_sc(idxg, x8t, hb):
        ne = hb * K * P
        return pl.kernel(
            functools.partial(_sc_gather_body, ne),
            out_type=jax.ShapeDtypeStruct((ne, GD), jnp.float32),
            mesh=mesh,
            scratch_types=[
                pltpu.VMEM((CH,), jnp.int32),
                pltpu.VMEM((CH, GD), jnp.float32),
                pltpu.SemaphoreType.DMA,
            ],
            compiler_params=pltpu.CompilerParams(use_tc_tiling_on_sc=False),
        )(idxg.reshape(ne), x8t)

    def stage_b(x8ph, xj_flat, hb):
        xjp = xj_flat.reshape(hb * K * P * GD // 128, 128)
        return pl.pallas_call(
            _mlp_body,
            grid=(hb // CB,),
            in_specs=[
                pl.BlockSpec((CB * 8, 128), lambda i: (i, 0)),
                pl.BlockSpec((CB * K * 8, 128), lambda i: (i, 0)),
                pl.BlockSpec((128, 512), lambda i: (0, 0)),
                pl.BlockSpec((128, 512), lambda i: (0, 0)),
                pl.BlockSpec((1, 512), lambda i: (0, 0)),
                pl.BlockSpec((512, 512), lambda i: (0, 0)),
                pl.BlockSpec((1, 512), lambda i: (0, 0)),
                pl.BlockSpec((32, 2), lambda i: (0, 0)),
                pl.BlockSpec((1, 2), lambda i: (0, 0)),
            ],
            out_specs=pl.BlockSpec((CB, 2), lambda i: (i, 0)),
            out_shape=jax.ShapeDtypeStruct((hb, 2), jnp.float32),
        )(x8ph, xjp, W1a_blk, W1b_blk, b1t, W2_blk, b2t, W3, b3r)

    NSPLIT = 4
    HB = B // NSPLIT
    outs = []
    halves = []
    for h in range(NSPLIT):
        sl = slice(h * HB, (h + 1) * HB)
        halves.append(stage_a(x[sl], cRT[sl], HB))
    gathered = [stage_sc(idxg, x8t, HB) for idxg, x8t in halves]
    for h in range(NSPLIT):
        slp = slice(h * HB * 8, (h + 1) * HB * 8)
        outs.append(stage_b(x8p[slp], gathered[h], HB))
    return jnp.concatenate(outs, axis=0)

# --- scband reference (transcript-rebuilt; emitter-appended) ---
"""Pipeline reference for scband-particle-cloud-41008347742440 (READ-ONLY COPY).

The authoritative reference and input builder live on the scoring server;
editing this copy changes nothing except your own understanding.
"""

import jax, jax.numpy as jnp
import numpy as np

B, P, F = 1024, 128, 6
K = 3

def setup_inputs(seed: int = 0) -> dict:
    key = jax.random.key(seed)
    ks = jax.random.split(key, 7)
    x = jax.random.normal(ks[0], (B, P, F), dtype=jnp.float32)
    W1 = jax.random.normal(ks[1], (12, 32), dtype=jnp.float32) * (1.0 / np.sqrt(12))
    b1 = jnp.zeros((32,), dtype=jnp.float32)
    W2 = jax.random.normal(ks[2], (32, 32), dtype=jnp.float32) * (1.0 / np.sqrt(32))
    b2 = jnp.zeros((32,), dtype=jnp.float32)
    W3 = jax.random.normal(ks[3], (32, 2), dtype=jnp.float32) * (1.0 / np.sqrt(32))
    b3 = jnp.zeros((2,), dtype=jnp.float32)
    return {"x": x, "W1": W1, "b1": b1, "W2": W2, "b2": b2, "W3": W3, "b3": b3}

def reference(x, W1, b1, W2, b2, W3, b3):
    # EdgeConvLayer: kNN on coordinate slice [1:3], k=3, edge feature [x_i, x_j - x_i]
    coords = x[..., 1:3]                                   # [B, P, 2]
    diff = coords[:, :, None, :] - coords[:, None, :, :]    # [B, P, P, 2]
    d2 = jnp.sum(diff * diff, axis=-1)                      # [B, P, P]
    d2 = d2 + jnp.eye(P, dtype=d2.dtype) * 1e9              # exclude self
    _, idx = jax.lax.top_k(-d2, K)                          # [B, P, K] nearest neighbors
    # gather neighbor features per batch
    xj = jax.vmap(lambda xb, ib: xb[ib])(x, idx)            # [B, P, K, F]
    xi = jnp.broadcast_to(x[:, :, None, :], xj.shape)       # [B, P, K, F]
    edge = jnp.concatenate([xi, xj - xi], axis=-1)          # [B, P, K, 12]
    h = jnp.maximum(edge @ W1 + b1, 0.0)
    h = jnp.maximum(h @ W2 + b2, 0.0)                       # [B, P, K, 32]
    agg = jnp.mean(h, axis=2)                               # aggregate over neighbors -> [B, P, 32]
    pooled = jnp.mean(agg, axis=1)                          # global avg pooling -> [B, 32]
    logits = pooled @ W3 + b3                               # [B, 2]
    # dropout is identity in eval mode
    return jax.nn.softmax(logits, axis=1)

if __name__ == "__main__":
    import jax
    _d = setup_inputs()
    print(jax.jit(kernel)(*tuple(_d.values())))

</pallas_src>

<mosaic_0001>
#map = affine_map<(d0, d1) -> (0)>
#map1 = affine_map<(d0, d1) -> (0, 0)>
module attributes {stable_mosaic.version = 14 : i64} {
  func.func @_sc_gather_body(%arg0: i32, %arg1: i32, %arg2: memref<98304xi32, #tpu.memory_space<hbm>>, %arg3: memref<32768x8xf32, #tpu.memory_space<hbm>>, %arg4: memref<98304x8xf32, #tpu.memory_space<hbm>>, %arg5: memref<2048xi32, #tpu.memory_space<vmem>>, %arg6: memref<2048x8xf32, #tpu.memory_space<vmem>>, %arg7: memref<!tpu.dma_semaphore, #tpu.memory_space<semaphore_mem>>) attributes {dimension_semantics = [#tpu.dimension_semantics<core_parallel>, #tpu.dimension_semantics<subcore_parallel>], iteration_bounds = array<i64: 2, 16>, scalar_prefetch = 0 : i64, scratch_operands = 3 : i64, tpu.core_type = #tpu.core_type<sc_vector_subcore>, window_params = [{transform_indices = #map}, {transform_indices = #map1}, {transform_indices = #map1}]} {
    %mul3A = arith.constant 2 : i32
    %mul3A_0 = arith.muli %arg1, %mul3A : i32
    %add3A = arith.addi %mul3A_0, %arg0 : i32
    %mul3A_1 = arith.constant 3072 : i32
    %mul3A_2 = arith.muli %add3A, %mul3A_1 : i32
    %add3A_3 = arith.constant 0 : i32
    %add3A_4 = arith.addi %mul3A_2, %add3A_3 : i32
    "tpu.region"() ({
      %run_scoped3A = tpu.sem_alloc : memref<!tpu.dma_semaphore, #tpu.memory_space<semaphore_mem>>
      %dma_start3A_9 = tpu.memref_slice %arg2[%add3A_4] : memref<98304xi32, #tpu.memory_space<hbm>> -> memref<2048xi32, #tpu.memory_space<hbm>>
      %dma_start3A_10 = tpu.memref_slice %arg2[%add3A_4] : memref<98304xi32, #tpu.memory_space<hbm>> -> memref<2048xi32, #tpu.memory_space<hbm>>
      tpu.enqueue_dma source(%dma_start3A_10 : memref<2048xi32, #tpu.memory_space<hbm>>) target(%arg5 : memref<2048xi32, #tpu.memory_space<vmem>>) target_semaphore(%run_scoped3A : memref<!tpu.dma_semaphore, #tpu.memory_space<semaphore_mem>>)
      %dma_wait3A_11 = tpu.memref_slice %arg2[%add3A_4] : memref<98304xi32, #tpu.memory_space<hbm>> -> memref<2048xi32, #tpu.memory_space<hbm>>
      %dma_wait3A_12 = tpu.memref_slice %arg2[%add3A_4] : memref<98304xi32, #tpu.memory_space<hbm>> -> memref<2048xi32, #tpu.memory_space<hbm>>
      tpu.wait_dma2 semaphore(%run_scoped3A : memref<!tpu.dma_semaphore, #tpu.memory_space<semaphore_mem>>) src(%dma_wait3A_12 : memref<2048xi32, #tpu.memory_space<hbm>>) dst(%arg5 : memref<2048xi32, #tpu.memory_space<vmem>>)
      tpu.yield
    }) : () -> ()
    %dma_start3A = arith.constant 0 : i32
    %dma_start3A_5 = arith.constant 0 : i32
    %dma_start3A_6 = tpu.memref_slice %arg3[%dma_start3A, %dma_start3A_5] : memref<32768x8xf32, #tpu.memory_space<hbm>> -> memref<32768x8xf32, #tpu.memory_space<hbm>>
    tpu.enqueue_indirect_dma source(%dma_start3A_6 : memref<32768x8xf32, #tpu.memory_space<hbm>>) target(%arg6 : memref<2048x8xf32, #tpu.memory_space<vmem>>) offsets(%arg5 : memref<2048xi32, #tpu.memory_space<vmem>>) semaphore(%arg7 : memref<!tpu.dma_semaphore, #tpu.memory_space<semaphore_mem>>)
    %dma_wait3A = arith.constant 0 : i32
    %dma_wait3A_7 = arith.constant 0 : i32
    %dma_wait3A_8 = tpu.memref_slice %arg3[%dma_wait3A, %dma_wait3A_7] : memref<32768x8xf32, #tpu.memory_space<hbm>> -> memref<32768x8xf32, #tpu.memory_space<hbm>>
    tpu.wait_indirect_dma semaphore(%arg7 : memref<!tpu.dma_semaphore, #tpu.memory_space<semaphore_mem>>) src(%dma_wait3A_8 : memref<32768x8xf32, #tpu.memory_space<hbm>>) dst(%arg6 : memref<2048x8xf32, #tpu.memory_space<vmem>>)
    "tpu.region"() ({
      %run_scoped3A = tpu.sem_alloc : memref<!tpu.dma_semaphore, #tpu.memory_space<semaphore_mem>>
      %dma_start3A_9 = arith.constant 0 : i32
      %dma_start3A_10 = tpu.memref_slice %arg4[%add3A_4, %dma_start3A_9] : memref<98304x8xf32, #tpu.memory_space<hbm>> -> memref<2048x8xf32, #tpu.memory_space<hbm>>
      %dma_start3A_11 = arith.constant 0 : i32
      %dma_start3A_12 = tpu.memref_slice %arg4[%add3A_4, %dma_start3A_11] : memref<98304x8xf32, #tpu.memory_space<hbm>> -> memref<2048x8xf32, #tpu.memory_space<hbm>>
      tpu.enqueue_dma source(%arg6 : memref<2048x8xf32, #tpu.memory_space<vmem>>) target(%dma_start3A_12 : memref<2048x8xf32, #tpu.memory_space<hbm>>) target_semaphore(%run_scoped3A : memref<!tpu.dma_semaphore, #tpu.memory_space<semaphore_mem>>)
      %dma_wait3A_13 = arith.constant 0 : i32
      %dma_wait3A_14 = tpu.memref_slice %arg4[%add3A_4, %dma_wait3A_13] : memref<98304x8xf32, #tpu.memory_space<hbm>> -> memref<2048x8xf32, #tpu.memory_space<hbm>>
      %dma_wait3A_15 = arith.constant 0 : i32
      %dma_wait3A_16 = tpu.memref_slice %arg4[%add3A_4, %dma_wait3A_15] : memref<98304x8xf32, #tpu.memory_space<hbm>> -> memref<2048x8xf32, #tpu.memory_space<hbm>>
      tpu.wait_dma2 semaphore(%run_scoped3A : memref<!tpu.dma_semaphore, #tpu.memory_space<semaphore_mem>>) src(%arg6 : memref<2048x8xf32, #tpu.memory_space<vmem>>) dst(%dma_wait3A_16 : memref<2048x8xf32, #tpu.memory_space<hbm>>)
      tpu.yield
    }) : () -> ()
    return
  }
}

#map = affine_map<(d0, d1) -> (0)>
#map1 = affine_map<(d0, d1) -> (0, 0)>
module attributes {stable_mosaic.version = 14 : i64} {
  func.func @_sc_gather_body(%arg0: i32, %arg1: i32, %arg2: memref<98304xi32, #tpu.memory_space<hbm>>, %arg3: memref<32768x8xf32, #tpu.memory_space<hbm>>, %arg4: memref<98304x8xf32, #tpu.memory_space<hbm>>, %arg5: memref<2048xi32, #tpu.memory_space<vmem>>, %arg6: memref<2048x8xf32, #tpu.memory_space<vmem>>, %arg7: memref<!tpu.dma_semaphore, #tpu.memory_space<semaphore_mem>>) attributes {dimension_semantics = [#tpu.dimension_semantics<core_parallel>, #tpu.dimension_semantics<subcore_parallel>], iteration_bounds = array<i64: 2, 16>, scalar_prefetch = 0 : i64, scratch_operands = 3 : i64, tpu.core_type = #tpu.core_type<sc_vector_subcore>, window_params = [{transform_indices = #map}, {transform_indices = #map1}, {transform_indices = #map1}]} {
    %mul3A = arith.constant 2 : i32
    %mul3A_0 = arith.muli %arg1, %mul3A : i32
    %add3A = arith.addi %mul3A_0, %arg0 : i32
    %mul3A_1 = arith.constant 3072 : i32
    %mul3A_2 = arith.muli %add3A, %mul3A_1 : i32
    %add3A_3 = arith.constant 0 : i32
    %add3A_4 = arith.addi %mul3A_2, %add3A_3 : i32
    "tpu.region"() ({
      %run_scoped3A = tpu.sem_alloc : memref<!tpu.dma_semaphore, #tpu.memory_space<semaphore_mem>>
      %dma_start3A_9 = tpu.memref_slice %arg2[%add3A_4] : memref<98304xi32, #tpu.memory_space<hbm>> -> memref<2048xi32, #tpu.memory_space<hbm>>
      %dma_start3A_10 = tpu.memref_slice %arg2[%add3A_4] : memref<98304xi32, #tpu.memory_space<hbm>> -> memref<2048xi32, #tpu.memory_space<hbm>>
      tpu.enqueue_dma source(%dma_start3A_10 : memref<2048xi32, #tpu.memory_space<hbm>>) target(%arg5 : memref<2048xi32, #tpu.memory_space<vmem>>) target_semaphore(%run_scoped3A : memref<!tpu.dma_semaphore, #tpu.memory_space<semaphore_mem>>)
      %dma_wait3A_11 = tpu.memref_slice %arg2[%add3A_4] : memref<98304xi32, #tpu.memory_space<hbm>> -> memref<2048xi32, #tpu.memory_space<hbm>>
      %dma_wait3A_12 = tpu.memref_slice %arg2[%add3A_4] : memref<98304xi32, #tpu.memory_space<hbm>> -> memref<2048xi32, #tpu.memory_space<hbm>>
      tpu.wait_dma2 semaphore(%run_scoped3A : memref<!tpu.dma_semaphore, #tpu.memory_space<semaphore_mem>>) src(%dma_wait3A_12 : memref<2048xi32, #tpu.memory_space<hbm>>) dst(%arg5 : memref<2048xi32, #tpu.memory_space<vmem>>)
      tpu.yield
    }) : () -> ()
    %dma_start3A = arith.constant 0 : i32
    %dma_start3A_5 = arith.constant 0 : i32
    %dma_start3A_6 = tpu.memref_slice %arg3[%dma_start3A, %dma_start3A_5] : memref<32768x8xf32, #tpu.memory_space<hbm>> -> memref<32768x8xf32, #tpu.memory_space<hbm>>
    tpu.enqueue_indirect_dma source(%dma_start3A_6 : memref<32768x8xf32, #tpu.memory_space<hbm>>) target(%arg6 : memref<2048x8xf32, #tpu.memory_space<vmem>>) offsets(%arg5 : memref<2048xi32, #tpu.memory_space<vmem>>) semaphore(%arg7 : memref<!tpu.dma_semaphore, #tpu.memory_space<semaphore_mem>>)
    %dma_wait3A = arith.constant 0 : i32
    %dma_wait3A_7 = arith.constant 0 : i32
    %dma_wait3A_8 = tpu.memref_slice %arg3[%dma_wait3A, %dma_wait3A_7] : memref<32768x8xf32, #tpu.memory_space<hbm>> -> memref<32768x8xf32, #tpu.memory_space<hbm>>
    tpu.wait_indirect_dma semaphore(%arg7 : memref<!tpu.dma_semaphore, #tpu.memory_space<semaphore_mem>>) src(%dma_wait3A_8 : memref<32768x8xf32, #tpu.memory_space<hbm>>) dst(%arg6 : memref<2048x8xf32, #tpu.memory_space<vmem>>)
    "tpu.region"() ({
      %run_scoped3A = tpu.sem_alloc : memref<!tpu.dma_semaphore, #tpu.memory_space<semaphore_mem>>
      %dma_start3A_9 = arith.constant 0 : i32
      %dma_start3A_10 = tpu.memref_slice %arg4[%add3A_4, %dma_start3A_9] : memref<98304x8xf32, #tpu.memory_space<hbm>> -> memref<2048x8xf32, #tpu.memory_space<hbm>>
      %dma_start3A_11 = arith.constant 0 : i32
      %dma_start3A_12 = tpu.memref_slice %arg4[%add3A_4, %dma_start3A_11] : memref<98304x8xf32, #tpu.memory_space<hbm>> -> memref<2048x8xf32, #tpu.memory_space<hbm>>
      tpu.enqueue_dma source(%arg6 : memref<2048x8xf32, #tpu.memory_space<vmem>>) target(%dma_start3A_12 : memref<2048x8xf32, #tpu.memory_space<hbm>>) target_semaphore(%run_scoped3A : memref<!tpu.dma_semaphore, #tpu.memory_space<semaphore_mem>>)
      %dma_wait3A_13 = arith.constant 0 : i32
      %dma_wait3A_14 = tpu.memref_slice %arg4[%add3A_4, %dma_wait3A_13] : memref<98304x8xf32, #tpu.memory_space<hbm>> -> memref<2048x8xf32, #tpu.memory_space<hbm>>
      %dma_wait3A_15 = arith.constant 0 : i32
      %dma_wait3A_16 = tpu.memref_slice %arg4[%add3A_4, %dma_wait3A_15] : memref<98304x8xf32, #tpu.memory_space<hbm>> -> memref<2048x8xf32, #tpu.memory_space<hbm>>
      tpu.wait_dma2 semaphore(%run_scoped3A : memref<!tpu.dma_semaphore, #tpu.memory_space<semaphore_mem>>) src(%arg6 : memref<2048x8xf32, #tpu.memory_space<vmem>>) dst(%dma_wait3A_16 : memref<2048x8xf32, #tpu.memory_space<hbm>>)
      tpu.yield
    }) : () -> ()
    return
  }
}

#map = affine_map<(d0, d1) -> (0)>
#map1 = affine_map<(d0, d1) -> (0, 0)>
module attributes {stable_mosaic.version = 14 : i64} {
  func.func @_sc_gather_body(%arg0: i32, %arg1: i32, %arg2: memref<98304xi32, #tpu.memory_space<hbm>>, %arg3: memref<32768x8xf32, #tpu.memory_space<hbm>>, %arg4: memref<98304x8xf32, #tpu.memory_space<hbm>>, %arg5: memref<2048xi32, #tpu.memory_space<vmem>>, %arg6: memref<2048x8xf32, #tpu.memory_space<vmem>>, %arg7: memref<!tpu.dma_semaphore, #tpu.memory_space<semaphore_mem>>) attributes {dimension_semantics = [#tpu.dimension_semantics<core_parallel>, #tpu.dimension_semantics<subcore_parallel>], iteration_bounds = array<i64: 2, 16>, scalar_prefetch = 0 : i64, scratch_operands = 3 : i64, tpu.core_type = #tpu.core_type<sc_vector_subcore>, window_params = [{transform_indices = #map}, {transform_indices = #map1}, {transform_indices = #map1}]} {
    %mul3A = arith.constant 2 : i32
    %mul3A_0 = arith.muli %arg1, %mul3A : i32
    %add3A = arith.addi %mul3A_0, %arg0 : i32
    %mul3A_1 = arith.constant 3072 : i32
    %mul3A_2 = arith.muli %add3A, %mul3A_1 : i32
    %add3A_3 = arith.constant 0 : i32
    %add3A_4 = arith.addi %mul3A_2, %add3A_3 : i32
    "tpu.region"() ({
      %run_scoped3A = tpu.sem_alloc : memref<!tpu.dma_semaphore, #tpu.memory_space<semaphore_mem>>
      %dma_start3A_9 = tpu.memref_slice %arg2[%add3A_4] : memref<98304xi32, #tpu.memory_space<hbm>> -> memref<2048xi32, #tpu.memory_space<hbm>>
      %dma_start3A_10 = tpu.memref_slice %arg2[%add3A_4] : memref<98304xi32, #tpu.memory_space<hbm>> -> memref<2048xi32, #tpu.memory_space<hbm>>
      tpu.enqueue_dma source(%dma_start3A_10 : memref<2048xi32, #tpu.memory_space<hbm>>) target(%arg5 : memref<2048xi32, #tpu.memory_space<vmem>>) target_semaphore(%run_scoped3A : memref<!tpu.dma_semaphore, #tpu.memory_space<semaphore_mem>>)
      %dma_wait3A_11 = tpu.memref_slice %arg2[%add3A_4] : memref<98304xi32, #tpu.memory_space<hbm>> -> memref<2048xi32, #tpu.memory_space<hbm>>
      %dma_wait3A_12 = tpu.memref_slice %arg2[%add3A_4] : memref<98304xi32, #tpu.memory_space<hbm>> -> memref<2048xi32, #tpu.memory_space<hbm>>
      tpu.wait_dma2 semaphore(%run_scoped3A : memref<!tpu.dma_semaphore, #tpu.memory_space<semaphore_mem>>) src(%dma_wait3A_12 : memref<2048xi32, #tpu.memory_space<hbm>>) dst(%arg5 : memref<2048xi32, #tpu.memory_space<vmem>>)
      tpu.yield
    }) : () -> ()
    %dma_start3A = arith.constant 0 : i32
    %dma_start3A_5 = arith.constant 0 : i32
    %dma_start3A_6 = tpu.memref_slice %arg3[%dma_start3A, %dma_start3A_5] : memref<32768x8xf32, #tpu.memory_space<hbm>> -> memref<32768x8xf32, #tpu.memory_space<hbm>>
    tpu.enqueue_indirect_dma source(%dma_start3A_6 : memref<32768x8xf32, #tpu.memory_space<hbm>>) target(%arg6 : memref<2048x8xf32, #tpu.memory_space<vmem>>) offsets(%arg5 : memref<2048xi32, #tpu.memory_space<vmem>>) semaphore(%arg7 : memref<!tpu.dma_semaphore, #tpu.memory_space<semaphore_mem>>)
    %dma_wait3A = arith.constant 0 : i32
    %dma_wait3A_7 = arith.constant 0 : i32
    %dma_wait3A_8 = tpu.memref_slice %arg3[%dma_wait3A, %dma_wait3A_7] : memref<32768x8xf32, #tpu.memory_space<hbm>> -> memref<32768x8xf32, #tpu.memory_space<hbm>>
    tpu.wait_indirect_dma semaphore(%arg7 : memref<!tpu.dma_semaphore, #tpu.memory_space<semaphore_mem>>) src(%dma_wait3A_8 : memref<32768x8xf32, #tpu.memory_space<hbm>>) dst(%arg6 : memref<2048x8xf32, #tpu.memory_space<vmem>>)
    "tpu.region"() ({
      %run_scoped3A = tpu.sem_alloc : memref<!tpu.dma_semaphore, #tpu.memory_space<semaphore_mem>>
      %dma_start3A_9 = arith.constant 0 : i32
      %dma_start3A_10 = tpu.memref_slice %arg4[%add3A_4, %dma_start3A_9] : memref<98304x8xf32, #tpu.memory_space<hbm>> -> memref<2048x8xf32, #tpu.memory_space<hbm>>
      %dma_start3A_11 = arith.constant 0 : i32
      %dma_start3A_12 = tpu.memref_slice %arg4[%add3A_4, %dma_start3A_11] : memref<98304x8xf32, #tpu.memory_space<hbm>> -> memref<2048x8xf32, #tpu.memory_space<hbm>>
      tpu.enqueue_dma source(%arg6 : memref<2048x8xf32, #tpu.memory_space<vmem>>) target(%dma_start3A_12 : memref<2048x8xf32, #tpu.memory_space<hbm>>) target_semaphore(%run_scoped3A : memref<!tpu.dma_semaphore, #tpu.memory_space<semaphore_mem>>)
      %dma_wait3A_13 = arith.constant 0 : i32
      %dma_wait3A_14 = tpu.memref_slice %arg4[%add3A_4, %dma_wait3A_13] : memref<98304x8xf32, #tpu.memory_space<hbm>> -> memref<2048x8xf32, #tpu.memory_space<hbm>>
      %dma_wait3A_15 = arith.constant 0 : i32
      %dma_wait3A_16 = tpu.memref_slice %arg4[%add3A_4, %dma_wait3A_15] : memref<98304x8xf32, #tpu.memory_space<hbm>> -> memref<2048x8xf32, #tpu.memory_space<hbm>>
      tpu.wait_dma2 semaphore(%run_scoped3A : memref<!tpu.dma_semaphore, #tpu.memory_space<semaphore_mem>>) src(%arg6 : memref<2048x8xf32, #tpu.memory_space<vmem>>) dst(%dma_wait3A_16 : memref<2048x8xf32, #tpu.memory_space<hbm>>)
      tpu.yield
    }) : () -> ()
    return
  }
}

#map = affine_map<(d0, d1) -> (0)>
#map1 = affine_map<(d0, d1) -> (0, 0)>
module attributes {stable_mosaic.version = 14 : i64} {
  func.func @_sc_gather_body(%arg0: i32, %arg1: i32, %arg2: memref<98304xi32, #tpu.memory_space<hbm>>, %arg3: memref<32768x8xf32, #tpu.memory_space<hbm>>, %arg4: memref<98304x8xf32, #tpu.memory_space<hbm>>, %arg5: memref<2048xi32, #tpu.memory_space<vmem>>, %arg6: memref<2048x8xf32, #tpu.memory_space<vmem>>, %arg7: memref<!tpu.dma_semaphore, #tpu.memory_space<semaphore_mem>>) attributes {dimension_semantics = [#tpu.dimension_semantics<core_parallel>, #tpu.dimension_semantics<subcore_parallel>], iteration_bounds = array<i64: 2, 16>, scalar_prefetch = 0 : i64, scratch_operands = 3 : i64, tpu.core_type = #tpu.core_type<sc_vector_subcore>, window_params = [{transform_indices = #map}, {transform_indices = #map1}, {transform_indices = #map1}]} {
    %mul3A = arith.constant 2 : i32
    %mul3A_0 = arith.muli %arg1, %mul3A : i32
    %add3A = arith.addi %mul3A_0, %arg0 : i32
    %mul3A_1 = arith.constant 3072 : i32
    %mul3A_2 = arith.muli %add3A, %mul3A_1 : i32
    %add3A_3 = arith.constant 0 : i32
    %add3A_4 = arith.addi %mul3A_2, %add3A_3 : i32
    "tpu.region"() ({
      %run_scoped3A = tpu.sem_alloc : memref<!tpu.dma_semaphore, #tpu.memory_space<semaphore_mem>>
      %dma_start3A_9 = tpu.memref_slice %arg2[%add3A_4] : memref<98304xi32, #tpu.memory_space<hbm>> -> memref<2048xi32, #tpu.memory_space<hbm>>
      %dma_start3A_10 = tpu.memref_slice %arg2[%add3A_4] : memref<98304xi32, #tpu.memory_space<hbm>> -> memref<2048xi32, #tpu.memory_space<hbm>>
      tpu.enqueue_dma source(%dma_start3A_10 : memref<2048xi32, #tpu.memory_space<hbm>>) target(%arg5 : memref<2048xi32, #tpu.memory_space<vmem>>) target_semaphore(%run_scoped3A : memref<!tpu.dma_semaphore, #tpu.memory_space<semaphore_mem>>)
      %dma_wait3A_11 = tpu.memref_slice %arg2[%add3A_4] : memref<98304xi32, #tpu.memory_space<hbm>> -> memref<2048xi32, #tpu.memory_space<hbm>>
      %dma_wait3A_12 = tpu.memref_slice %arg2[%add3A_4] : memref<98304xi32, #tpu.memory_space<hbm>> -> memref<2048xi32, #tpu.memory_space<hbm>>
      tpu.wait_dma2 semaphore(%run_scoped3A : memref<!tpu.dma_semaphore, #tpu.memory_space<semaphore_mem>>) src(%dma_wait3A_12 : memref<2048xi32, #tpu.memory_space<hbm>>) dst(%arg5 : memref<2048xi32, #tpu.memory_space<vmem>>)
      tpu.yield
    }) : () -> ()
    %dma_start3A = arith.constant 0 : i32
    %dma_start3A_5 = arith.constant 0 : i32
    %dma_start3A_6 = tpu.memref_slice %arg3[%dma_start3A, %dma_start3A_5] : memref<32768x8xf32, #tpu.memory_space<hbm>> -> memref<32768x8xf32, #tpu.memory_space<hbm>>
    tpu.enqueue_indirect_dma source(%dma_start3A_6 : memref<32768x8xf32, #tpu.memory_space<hbm>>) target(%arg6 : memref<2048x8xf32, #tpu.memory_space<vmem>>) offsets(%arg5 : memref<2048xi32, #tpu.memory_space<vmem>>) semaphore(%arg7 : memref<!tpu.dma_semaphore, #tpu.memory_space<semaphore_mem>>)
    %dma_wait3A = arith.constant 0 : i32
    %dma_wait3A_7 = arith.constant 0 : i32
    %dma_wait3A_8 = tpu.memref_slice %arg3[%dma_wait3A, %dma_wait3A_7] : memref<32768x8xf32, #tpu.memory_space<hbm>> -> memref<32768x8xf32, #tpu.memory_space<hbm>>
    tpu.wait_indirect_dma semaphore(%arg7 : memref<!tpu.dma_semaphore, #tpu.memory_space<semaphore_mem>>) src(%dma_wait3A_8 : memref<32768x8xf32, #tpu.memory_space<hbm>>) dst(%arg6 : memref<2048x8xf32, #tpu.memory_space<vmem>>)
    "tpu.region"() ({
      %run_scoped3A = tpu.sem_alloc : memref<!tpu.dma_semaphore, #tpu.memory_space<semaphore_mem>>
      %dma_start3A_9 = arith.constant 0 : i32
      %dma_start3A_10 = tpu.memref_slice %arg4[%add3A_4, %dma_start3A_9] : memref<98304x8xf32, #tpu.memory_space<hbm>> -> memref<2048x8xf32, #tpu.memory_space<hbm>>
      %dma_start3A_11 = arith.constant 0 : i32
      %dma_start3A_12 = tpu.memref_slice %arg4[%add3A_4, %dma_start3A_11] : memref<98304x8xf32, #tpu.memory_space<hbm>> -> memref<2048x8xf32, #tpu.memory_space<hbm>>
      tpu.enqueue_dma source(%arg6 : memref<2048x8xf32, #tpu.memory_space<vmem>>) target(%dma_start3A_12 : memref<2048x8xf32, #tpu.memory_space<hbm>>) target_semaphore(%run_scoped3A : memref<!tpu.dma_semaphore, #tpu.memory_space<semaphore_mem>>)
      %dma_wait3A_13 = arith.constant 0 : i32
      %dma_wait3A_14 = tpu.memref_slice %arg4[%add3A_4, %dma_wait3A_13] : memref<98304x8xf32, #tpu.memory_space<hbm>> -> memref<2048x8xf32, #tpu.memory_space<hbm>>
      %dma_wait3A_15 = arith.constant 0 : i32
      %dma_wait3A_16 = tpu.memref_slice %arg4[%add3A_4, %dma_wait3A_15] : memref<98304x8xf32, #tpu.memory_space<hbm>> -> memref<2048x8xf32, #tpu.memory_space<hbm>>
      tpu.wait_dma2 semaphore(%run_scoped3A : memref<!tpu.dma_semaphore, #tpu.memory_space<semaphore_mem>>) src(%arg6 : memref<2048x8xf32, #tpu.memory_space<vmem>>) dst(%dma_wait3A_16 : memref<2048x8xf32, #tpu.memory_space<hbm>>)
      tpu.yield
    }) : () -> ()
    return
  }
}

module attributes {stable_mosaic.version = 14 : i64} {
  func.func @_knn_body(%arg0: i32, %arg1: memref<32x128x6xf32, #tpu.memory_space<vmem>>, %arg2: memref<32x2x128xf32, #tpu.memory_space<vmem>>, %arg3: memref<96x128xi32, #tpu.memory_space<vmem>>, %arg4: memref<4096x8xf32, #tpu.memory_space<vmem>>) attributes {dimension_semantics = [#tpu.dimension_semantics<arbitrary>], iteration_bounds = array<i64: 8>, scalar_prefetch = 0 : i64, scratch_operands = 0 : i64, tpu.core_type = #tpu.core_type<tc>, window_params = [{transform_indices = @transform_0, window_bounds = array<i64: 32, 128, 6>}, {transform_indices = @transform_1, window_bounds = array<i64: 32, 2, 128>}, {transform_indices = @transform_2, window_bounds = array<i64: 96, 128>}, {transform_indices = @transform_3, window_bounds = array<i64: 4096, 8>}]} {
    %get3A = arith.constant 0 : index
    %get3A_0 = arith.constant 0 : index
    %get3A_1 = arith.constant 0 : index
    %get3A_2 = vector.load %arg1[%get3A, %get3A_0, %get3A_1] : memref<32x128x6xf32, #tpu.memory_space<vmem>>, vector<32x128x6xf32>
    %broadcast_in_dim3A = arith.constant 0.000000e+00 : f32
    %broadcast_in_dim3A_3 = vector.broadcast %broadcast_in_dim3A : f32 to vector<32x128x2xf32>
    %concatenate3A = tpu.concatenate %get3A_2, %broadcast_in_dim3A_3 in 2 : vector<32x128x6xf32>, vector<32x128x2xf32> -> vector<32x128x8xf32>
    %reshape3A = vector.shape_cast %concatenate3A : vector<32x128x8xf32> to vector<4096x8xf32>
    %swap3A = arith.constant 0 : index
    %swap3A_4 = arith.constant 0 : index
    %swap3A_5 = vector.load %arg4[%swap3A, %swap3A_4] : memref<4096x8xf32, #tpu.memory_space<vmem>>, vector<4096x8xf32>
    tpu.vector_store %arg4[%swap3A, %swap3A_4], %reshape3A {strides = array<i32>} : memref<4096x8xf32, #tpu.memory_space<vmem>>, vector<4096x8xf32>,
    %slice3A = vector.extract_strided_slice %get3A_2 {offsets = [0, 0, 1], sizes = [32, 128, 2], strides = [1, 1, 1]} : vector<32x128x6xf32> to vector<32x128x2xf32>
    %get3A_6 = arith.constant 0 : index
    %get3A_7 = arith.constant 0 : index
    %get3A_8 = arith.constant 0 : index
    %get3A_9 = vector.load %arg2[%get3A_6, %get3A_7, %get3A_8] : memref<32x2x128xf32, #tpu.memory_space<vmem>>, vector<32x2x128xf32>
    %iota3A = tpu.iota {dimensions = array<i32: 1>} : vector<32x128x128xi32>
    %iota3A_10 = tpu.iota {dimensions = array<i32: 2>} : vector<32x128x128xi32>
    %slice3A_11 = vector.extract_strided_slice %slice3A {offsets = [0, 0, 0], sizes = [32, 128, 1], strides = [1, 1, 1]} : vector<32x128x2xf32> to vector<32x128x1xf32>
    %slice3A_12 = vector.extract_strided_slice %get3A_9 {offsets = [0, 0, 0], sizes = [32, 1, 128], strides = [1, 1, 1]} : vector<32x2x128xf32> to vector<32x1x128xf32>
    %sub3A = vector.broadcast %slice3A_11 : vector<32x128x1xf32> to vector<32x128x128xf32>
    %sub3A_13 = vector.broadcast %slice3A_12 : vector<32x1x128xf32> to vector<32x128x128xf32>
    %sub3A_14 = arith.subf %sub3A, %sub3A_13 : vector<32x128x128xf32>
    %slice3A_15 = vector.extract_strided_slice %slice3A {offsets = [0, 0, 1], sizes = [32, 128, 1], strides = [1, 1, 1]} : vector<32x128x2xf32> to vector<32x128x1xf32>
    %slice3A_16 = vector.extract_strided_slice %get3A_9 {offsets = [0, 1, 0], sizes = [32, 1, 128], strides = [1, 1, 1]} : vector<32x2x128xf32> to vector<32x1x128xf32>
    %sub3A_17 = vector.broadcast %slice3A_15 : vector<32x128x1xf32> to vector<32x128x128xf32>
    %sub3A_18 = vector.broadcast %slice3A_16 : vector<32x1x128xf32> to vector<32x128x128xf32>
    %sub3A_19 = arith.subf %sub3A_17, %sub3A_18 : vector<32x128x128xf32>
    %mul3A = arith.mulf %sub3A_14, %sub3A_14 : vector<32x128x128xf32>
    %mul3A_20 = arith.mulf %sub3A_19, %sub3A_19 : vector<32x128x128xf32>
    %add3A = arith.addf %mul3A, %mul3A_20 : vector<32x128x128xf32>
    %eq3A = arith.cmpi eq, %iota3A, %iota3A_10 : vector<32x128x128xi32>
    %jit3A = arith.constant 1.000000e+09 : f32
    %jit3A_21 = arith.constant 0.000000e+00 : f32
    %broadcast_in_dim3A_22 = vector.broadcast %jit3A : f32 to vector<32x128x128xf32>
    %broadcast_in_dim3A_23 = vector.broadcast %jit3A_21 : f32 to vector<32x128x128xf32>
    %select_n3A = arith.select %eq3A, %broadcast_in_dim3A_22, %broadcast_in_dim3A_23 : vector<32x128x128xi1>, vector<32x128x128xf32>
    %add3A_24 = arith.addf %add3A, %select_n3A : vector<32x128x128xf32>
    %mul3A_25 = arith.constant 32 : i32
    %mul3A_26 = arith.muli %arg0, %mul3A_25 : i32
    %iota3A_27 = tpu.iota {dimensions = array<i32: 0>} : vector<32x1x128xi32>
    %add3A_28 = vector.broadcast %mul3A_26 : i32 to vector<32x1x128xi32>
    %add3A_29 = arith.addi %add3A_28, %iota3A_27 : vector<32x1x128xi32>
    %mul3A_30 = arith.constant 128 : i32
    %mul3A_31 = vector.broadcast %mul3A_30 : i32 to vector<32x1x128xi32>
    %mul3A_32 = arith.muli %add3A_29, %mul3A_31 : vector<32x1x128xi32>
    %reduce_min3A = arith.constant dense<0x7F800000> : vector<32x128xf32>
    %reduce_min3A_33 = vector.multi_reduction <minimumf>, %add3A_24, %reduce_min3A [1] : vector<32x128x128xf32> to vector<32x128xf32>
    %broadcast_in_dim3A_34 = vector.shape_cast %reduce_min3A_33 : vector<32x128xf32> to vector<32x1x128xf32>
    %eq3A_35 = vector.broadcast %broadcast_in_dim3A_34 : vector<32x1x128xf32> to vector<32x128x128xf32>
    %eq3A_36 = arith.cmpf oeq, %add3A_24, %eq3A_35 : vector<32x128x128xf32>
    %jit3A_37 = arith.constant 128 : i32
    %broadcast_in_dim3A_38 = vector.broadcast %jit3A_37 : i32 to vector<32x128x128xi32>
    %select_n3A_39 = arith.select %eq3A_36, %iota3A, %broadcast_in_dim3A_38 : vector<32x128x128xi1>, vector<32x128x128xi32>
    %reduce_min3A_40 = arith.constant dense<2147483647> : vector<32x128xi32>
    %reduce_min3A_41 = vector.multi_reduction <minsi>, %select_n3A_39, %reduce_min3A_40 [1] : vector<32x128x128xi32> to vector<32x128xi32>
    %broadcast_in_dim3A_42 = vector.shape_cast %reduce_min3A_41 : vector<32x128xi32> to vector<32x1x128xi32>
    %add3A_43 = arith.addi %broadcast_in_dim3A_42, %mul3A_32 : vector<32x1x128xi32>
    %eq3A_44 = vector.broadcast %broadcast_in_dim3A_42 : vector<32x1x128xi32> to vector<32x128x128xi32>
    %eq3A_45 = arith.cmpi eq, %iota3A, %eq3A_44 : vector<32x128x128xi32>
    %jit3A_46 = arith.constant 2.000000e+09 : f32
    %broadcast_in_dim3A_47 = vector.broadcast %jit3A_46 : f32 to vector<32x128x128xf32>
    %select_n3A_48 = arith.select %eq3A_45, %broadcast_in_dim3A_47, %add3A_24 : vector<32x128x128xi1>, vector<32x128x128xf32>
    %reduce_min3A_49 = arith.constant dense<0x7F800000> : vector<32x128xf32>
    %reduce_min3A_50 = vector.multi_reduction <minimumf>, %select_n3A_48, %reduce_min3A_49 [1] : vector<32x128x128xf32> to vector<32x128xf32>
    %broadcast_in_dim3A_51 = vector.shape_cast %reduce_min3A_50 : vector<32x128xf32> to vector<32x1x128xf32>
    %eq3A_52 = vector.broadcast %broadcast_in_dim3A_51 : vector<32x1x128xf32> to vector<32x128x128xf32>
    %eq3A_53 = arith.cmpf oeq, %select_n3A_48, %eq3A_52 : vector<32x128x128xf32>
    %jit3A_54 = arith.constant 128 : i32
    %broadcast_in_dim3A_55 = vector.broadcast %jit3A_54 : i32 to vector<32x128x128xi32>
    %select_n3A_56 = arith.select %eq3A_53, %iota3A, %broadcast_in_dim3A_55 : vector<32x128x128xi1>, vector<32x128x128xi32>
    %reduce_min3A_57 = arith.constant dense<2147483647> : vector<32x128xi32>
    %reduce_min3A_58 = vector.multi_reduction <minsi>, %select_n3A_56, %reduce_min3A_57 [1] : vector<32x128x128xi32> to vector<32x128xi32>
    %broadcast_in_dim3A_59 = vector.shape_cast %reduce_min3A_58 : vector<32x128xi32> to vector<32x1x128xi32>
    %add3A_60 = arith.addi %broadcast_in_dim3A_59, %mul3A_32 : vector<32x1x128xi32>
    %eq3A_61 = vector.broadcast %broadcast_in_dim3A_59 : vector<32x1x128xi32> to vector<32x128x128xi32>
    %eq3A_62 = arith.cmpi eq, %iota3A, %eq3A_61 : vector<32x128x128xi32>
    %jit3A_63 = arith.constant 2.000000e+09 : f32
    %broadcast_in_dim3A_64 = vector.broadcast %jit3A_63 : f32 to vector<32x128x128xf32>
    %select_n3A_65 = arith.select %eq3A_62, %broadcast_in_dim3A_64, %select_n3A_48 : vector<32x128x128xi1>, vector<32x128x128xf32>
    %reduce_min3A_66 = arith.constant dense<0x7F800000> : vector<32x128xf32>
    %reduce_min3A_67 = vector.multi_reduction <minimumf>, %select_n3A_65, %reduce_min3A_66 [1] : vector<32x128x128xf32> to vector<32x128xf32>
    %broadcast_in_dim3A_68 = vector.shape_cast %reduce_min3A_67 : vector<32x128xf32> to vector<32x1x128xf32>
    %eq3A_69 = vector.broadcast %broadcast_in_dim3A_68 : vector<32x1x128xf32> to vector<32x128x128xf32>
    %eq3A_70 = arith.cmpf oeq, %select_n3A_65, %eq3A_69 : vector<32x128x128xf32>
    %jit3A_71 = arith.constant 128 : i32
    %broadcast_in_dim3A_72 = vector.broadcast %jit3A_71 : i32 to vector<32x128x128xi32>
    %select_n3A_73 = arith.select %eq3A_70, %iota3A, %broadcast_in_dim3A_72 : vector<32x128x128xi1>, vector<32x128x128xi32>
    %reduce_min3A_74 = arith.constant dense<2147483647> : vector<32x128xi32>
    %reduce_min3A_75 = vector.multi_reduction <minsi>, %select_n3A_73, %reduce_min3A_74 [1] : vector<32x128x128xi32> to vector<32x128xi32>
    %broadcast_in_dim3A_76 = vector.shape_cast %reduce_min3A_75 : vector<32x128xi32> to vector<32x1x128xi32>
    %add3A_77 = arith.addi %broadcast_in_dim3A_76, %mul3A_32 : vector<32x1x128xi32>
    %concatenate3A_78 = tpu.concatenate %add3A_43, %add3A_60, %add3A_77 in 1 : vector<32x1x128xi32>, vector<32x1x128xi32>, vector<32x1x128xi32> -> vector<32x3x128xi32>
    %reshape3A_79 = vector.shape_cast %concatenate3A_78 : vector<32x3x128xi32> to vector<96x128xi32>
    %swap3A_80 = arith.constant 0 : index
    %swap3A_81 = arith.constant 0 : index
    %swap3A_82 = vector.load %arg3[%swap3A_80, %swap3A_81] : memref<96x128xi32, #tpu.memory_space<vmem>>, vector<96x128xi32>
    tpu.vector_store %arg3[%swap3A_80, %swap3A_81], %reshape3A_79 {strides = array<i32>} : memref<96x128xi32, #tpu.memory_space<vmem>>, vector<96x128xi32>,
    return
  }
  func.func @transform_0(%arg0: i32) -> (i32, i32, i32) {
    %c0_i32 = arith.constant 0 : i32
    %c0_i32_0 = arith.constant 0 : i32
    %c0_i32_1 = arith.constant 0 : i32
    return %arg0, %c0_i32, %c0_i32_0 : i32, i32, i32
  }
  func.func @transform_1(%arg0: i32) -> (i32, i32, i32) {
    %c0_i32 = arith.constant 0 : i32
    %c0_i32_0 = arith.constant 0 : i32
    %c0_i32_1 = arith.constant 0 : i32
    return %arg0, %c0_i32, %c0_i32_0 : i32, i32, i32
  }
  func.func @transform_2(%arg0: i32) -> (i32, i32) {
    %c0_i32 = arith.constant 0 : i32
    %c0_i32_0 = arith.constant 0 : i32
    return %arg0, %c0_i32 : i32, i32
  }
  func.func @transform_3(%arg0: i32) -> (i32, i32) {
    %c0_i32 = arith.constant 0 : i32
    %c0_i32_0 = arith.constant 0 : i32
    return %arg0, %c0_i32 : i32, i32
  }
}

module attributes {stable_mosaic.version = 14 : i64} {
  func.func @_mlp_body(%arg0: i32, %arg1: memref<512x128xf32, #tpu.memory_space<vmem>>, %arg2: memref<1536x128xf32, #tpu.memory_space<vmem>>, %arg3: memref<128x512xf32, #tpu.memory_space<vmem>>, %arg4: memref<128x512xf32, #tpu.memory_space<vmem>>, %arg5: memref<1x512xf32, #tpu.memory_space<vmem>>, %arg6: memref<512x512xf32, #tpu.memory_space<vmem>>, %arg7: memref<1x512xf32, #tpu.memory_space<vmem>>, %arg8: memref<32x2xf32, #tpu.memory_space<vmem>>, %arg9: memref<1x2xf32, #tpu.memory_space<vmem>>, %arg10: memref<64x2xf32, #tpu.memory_space<vmem>>) attributes {dimension_semantics = [#tpu.dimension_semantics<arbitrary>], iteration_bounds = array<i64: 4>, scalar_prefetch = 0 : i64, scratch_operands = 0 : i64, tpu.core_type = #tpu.core_type<tc>, window_params = [{transform_indices = @transform_0, window_bounds = array<i64: 512, 128>}, {transform_indices = @transform_1, window_bounds = array<i64: 1536, 128>}, {pipeline_mode = #tpu.pipeline_mode<synchronous>, transform_indices = @transform_2, window_bounds = array<i64: 128, 512>}, {pipeline_mode = #tpu.pipeline_mode<synchronous>, transform_indices = @transform_3, window_bounds = array<i64: 128, 512>}, {pipeline_mode = #tpu.pipeline_mode<synchronous>, transform_indices = @transform_4, window_bounds = array<i64: 1, 512>}, {pipeline_mode = #tpu.pipeline_mode<synchronous>, transform_indices = @transform_5, window_bounds = array<i64: 512, 512>}, {pipeline_mode = #tpu.pipeline_mode<synchronous>, transform_indices = @transform_6, window_bounds = array<i64: 1, 512>}, {pipeline_mode = #tpu.pipeline_mode<synchronous>, transform_indices = @transform_7, window_bounds = array<i64: 32, 2>}, {pipeline_mode = #tpu.pipeline_mode<synchronous>, transform_indices = @transform_8, window_bounds = array<i64: 1, 2>}, {transform_indices = @transform_9, window_bounds = array<i64: 64, 2>}]} {
    %get3A = arith.constant 0 : index
    %get3A_0 = arith.constant 0 : index
    %get3A_1 = vector.load %arg1[%get3A, %get3A_0] : memref<512x128xf32, #tpu.memory_space<vmem>>, vector<512x128xf32>
    %get3A_2 = arith.constant 0 : index
    %get3A_3 = arith.constant 0 : index
    %get3A_4 = vector.load %arg3[%get3A_2, %get3A_3] : memref<128x512xf32, #tpu.memory_space<vmem>>, vector<128x512xf32>
    %dot_general3A = arith.constant dense<0.000000e+00> : vector<512x512xf32>
    %dot_general3A_5 = tpu.matmul %get3A_1, %get3A_4, %dot_general3A {dimension_numbers = #tpu.dot_dimension_numbers<[1], [0], [0], [1], [0, 0, 1, 1], [], []>, transpose_lhs_hint = false} : vector<512x128xf32>, vector<128x512xf32>, vector<512x512xf32> -> vector<512x512xf32>
    %get3A_6 = arith.constant 0 : index
    %get3A_7 = arith.constant 0 : index
    %get3A_8 = vector.load %arg5[%get3A_6, %get3A_7] : memref<1x512xf32, #tpu.memory_space<vmem>>, vector<1x512xf32>
    %add3A = vector.broadcast %get3A_8 : vector<1x512xf32> to vector<512x512xf32>
    %add3A_9 = arith.addf %dot_general3A_5, %add3A : vector<512x512xf32>
    %get3A_10 = arith.constant 0 : index
    %get3A_11 = arith.constant 0 : index
    %get3A_12 = vector.load %arg2[%get3A_10, %get3A_11] : memref<1536x128xf32, #tpu.memory_space<vmem>>, vector<1536x128xf32>
    %get3A_13 = arith.constant 0 : index
    %get3A_14 = arith.constant 0 : index
    %get3A_15 = vector.load %arg4[%get3A_13, %get3A_14] : memref<128x512xf32, #tpu.memory_space<vmem>>, vector<128x512xf32>
    %dot_general3A_16 = arith.constant dense<0.000000e+00> : vector<1536x512xf32>
    %dot_general3A_17 = tpu.matmul %get3A_12, %get3A_15, %dot_general3A_16 {dimension_numbers = #tpu.dot_dimension_numbers<[1], [0], [0], [1], [0, 0, 1, 1], [], []>, transpose_lhs_hint = false} : vector<1536x128xf32>, vector<128x512xf32>, vector<1536x512xf32> -> vector<1536x512xf32>
    %reshape3A = vector.shape_cast %dot_general3A_17 : vector<1536x512xf32> to vector<64x3x8x512xf32>
    %reshape3A_18 = vector.shape_cast %add3A_9 : vector<512x512xf32> to vector<64x1x8x512xf32>
    %add3A_19 = vector.broadcast %reshape3A_18 : vector<64x1x8x512xf32> to vector<64x3x8x512xf32>
    %add3A_20 = arith.addf %reshape3A, %add3A_19 : vector<64x3x8x512xf32>
    %max3A = arith.constant 0.000000e+00 : f32
    %max3A_21 = vector.broadcast %max3A : f32 to vector<64x3x8x512xf32>
    %max3A_22 = arith.maximumf %add3A_20, %max3A_21 : vector<64x3x8x512xf32>
    %reshape3A_23 = vector.shape_cast %max3A_22 : vector<64x3x8x512xf32> to vector<1536x512xf32>
    %get3A_24 = arith.constant 0 : index
    %get3A_25 = arith.constant 0 : index
    %get3A_26 = vector.load %arg6[%get3A_24, %get3A_25] : memref<512x512xf32, #tpu.memory_space<vmem>>, vector<512x512xf32>
    %dot_general3A_27 = arith.constant dense<0.000000e+00> : vector<1536x512xf32>
    %dot_general3A_28 = tpu.matmul %reshape3A_23, %get3A_26, %dot_general3A_27 {dimension_numbers = #tpu.dot_dimension_numbers<[1], [0], [0], [1], [0, 0, 1, 1], [], []>, transpose_lhs_hint = false} : vector<1536x512xf32>, vector<512x512xf32>, vector<1536x512xf32> -> vector<1536x512xf32>
    %get3A_29 = arith.constant 0 : index
    %get3A_30 = arith.constant 0 : index
    %get3A_31 = vector.load %arg7[%get3A_29, %get3A_30] : memref<1x512xf32, #tpu.memory_space<vmem>>, vector<1x512xf32>
    %add3A_32 = vector.broadcast %get3A_31 : vector<1x512xf32> to vector<1536x512xf32>
    %add3A_33 = arith.addf %dot_general3A_28, %add3A_32 : vector<1536x512xf32>
    %max3A_34 = arith.constant 0.000000e+00 : f32
    %max3A_35 = vector.broadcast %max3A_34 : f32 to vector<1536x512xf32>
    %max3A_36 = arith.maximumf %add3A_33, %max3A_35 : vector<1536x512xf32>
    %reshape3A_37 = vector.shape_cast %max3A_36 : vector<1536x512xf32> to vector<64x24x512xf32>
    %reduce_sum3A = arith.constant dense<0.000000e+00> : vector<64x512xf32>
    %reduce_sum3A_38 = vector.multi_reduction <add>, %reshape3A_37, %reduce_sum3A [1] : vector<64x24x512xf32> to vector<64x512xf32>
    %slice3A = vector.extract_strided_slice %reduce_sum3A_38 {offsets = [0, 0], sizes = [64, 32], strides = [1, 1]} : vector<64x512xf32> to vector<64x32xf32>
    %slice3A_39 = vector.extract_strided_slice %reduce_sum3A_38 {offsets = [0, 32], sizes = [64, 32], strides = [1, 1]} : vector<64x512xf32> to vector<64x32xf32>
    %add3A_40 = arith.addf %slice3A, %slice3A_39 : vector<64x32xf32>
    %slice3A_41 = vector.extract_strided_slice %reduce_sum3A_38 {offsets = [0, 64], sizes = [64, 32], strides = [1, 1]} : vector<64x512xf32> to vector<64x32xf32>
    %add3A_42 = arith.addf %add3A_40, %slice3A_41 : vector<64x32xf32>
    %slice3A_43 = vector.extract_strided_slice %reduce_sum3A_38 {offsets = [0, 96], sizes = [64, 32], strides = [1, 1]} : vector<64x512xf32> to vector<64x32xf32>
    %add3A_44 = arith.addf %add3A_42, %slice3A_43 : vector<64x32xf32>
    %slice3A_45 = vector.extract_strided_slice %reduce_sum3A_38 {offsets = [0, 128], sizes = [64, 32], strides = [1, 1]} : vector<64x512xf32> to vector<64x32xf32>
    %add3A_46 = arith.addf %add3A_44, %slice3A_45 : vector<64x32xf32>
    %slice3A_47 = vector.extract_strided_slice %reduce_sum3A_38 {offsets = [0, 160], sizes = [64, 32], strides = [1, 1]} : vector<64x512xf32> to vector<64x32xf32>
    %add3A_48 = arith.addf %add3A_46, %slice3A_47 : vector<64x32xf32>
    %slice3A_49 = vector.extract_strided_slice %reduce_sum3A_38 {offsets = [0, 192], sizes = [64, 32], strides = [1, 1]} : vector<64x512xf32> to vector<64x32xf32>
    %add3A_50 = arith.addf %add3A_48, %slice3A_49 : vector<64x32xf32>
    %slice3A_51 = vector.extract_strided_slice %reduce_sum3A_38 {offsets = [0, 224], sizes = [64, 32], strides = [1, 1]} : vector<64x512xf32> to vector<64x32xf32>
    %add3A_52 = arith.addf %add3A_50, %slice3A_51 : vector<64x32xf32>
    %slice3A_53 = vector.extract_strided_slice %reduce_sum3A_38 {offsets = [0, 256], sizes = [64, 32], strides = [1, 1]} : vector<64x512xf32> to vector<64x32xf32>
    %add3A_54 = arith.addf %add3A_52, %slice3A_53 : vector<64x32xf32>
    %slice3A_55 = vector.extract_strided_slice %reduce_sum3A_38 {offsets = [0, 288], sizes = [64, 32], strides = [1, 1]} : vector<64x512xf32> to vector<64x32xf32>
    %add3A_56 = arith.addf %add3A_54, %slice3A_55 : vector<64x32xf32>
    %slice3A_57 = vector.extract_strided_slice %reduce_sum3A_38 {offsets = [0, 320], sizes = [64, 32], strides = [1, 1]} : vector<64x512xf32> to vector<64x32xf32>
    %add3A_58 = arith.addf %add3A_56, %slice3A_57 : vector<64x32xf32>
    %slice3A_59 = vector.extract_strided_slice %reduce_sum3A_38 {offsets = [0, 352], sizes = [64, 32], strides = [1, 1]} : vector<64x512xf32> to vector<64x32xf32>
    %add3A_60 = arith.addf %add3A_58, %slice3A_59 : vector<64x32xf32>
    %slice3A_61 = vector.extract_strided_slice %reduce_sum3A_38 {offsets = [0, 384], sizes = [64, 32], strides = [1, 1]} : vector<64x512xf32> to vector<64x32xf32>
    %add3A_62 = arith.addf %add3A_60, %slice3A_61 : vector<64x32xf32>
    %slice3A_63 = vector.extract_strided_slice %reduce_sum3A_38 {offsets = [0, 416], sizes = [64, 32], strides = [1, 1]} : vector<64x512xf32> to vector<64x32xf32>
    %add3A_64 = arith.addf %add3A_62, %slice3A_63 : vector<64x32xf32>
    %slice3A_65 = vector.extract_strided_slice %reduce_sum3A_38 {offsets = [0, 448], sizes = [64, 32], strides = [1, 1]} : vector<64x512xf32> to vector<64x32xf32>
    %add3A_66 = arith.addf %add3A_64, %slice3A_65 : vector<64x32xf32>
    %slice3A_67 = vector.extract_strided_slice %reduce_sum3A_38 {offsets = [0, 480], sizes = [64, 32], strides = [1, 1]} : vector<64x512xf32> to vector<64x32xf32>
    %add3A_68 = arith.addf %add3A_66, %slice3A_67 : vector<64x32xf32>
    %mul3A = arith.constant 0.00260416674 : f32
    %mul3A_69 = vector.broadcast %mul3A : f32 to vector<64x32xf32>
    %mul3A_70 = arith.mulf %add3A_68, %mul3A_69 : vector<64x32xf32>
    %get3A_71 = arith.constant 0 : index
    %get3A_72 = arith.constant 0 : index
    %get3A_73 = vector.load %arg8[%get3A_71, %get3A_72] : memref<32x2xf32, #tpu.memory_space<vmem>>, vector<32x2xf32>
    %dot_general3A_74 = arith.constant dense<0.000000e+00> : vector<64x2xf32>
    %dot_general3A_75 = tpu.matmul %mul3A_70, %get3A_73, %dot_general3A_74 {dimension_numbers = #tpu.dot_dimension_numbers<[1], [0], [0], [1], [0, 0, 1, 1], [], []>, transpose_lhs_hint = false} : vector<64x32xf32>, vector<32x2xf32>, vector<64x2xf32> -> vector<64x2xf32>
    %get3A_76 = arith.constant 0 : index
    %get3A_77 = arith.constant 0 : index
    %get3A_78 = vector.load %arg9[%get3A_76, %get3A_77] : memref<1x2xf32, #tpu.memory_space<vmem>>, vector<1x2xf32>
    %add3A_79 = vector.broadcast %get3A_78 : vector<1x2xf32> to vector<64x2xf32>
    %add3A_80 = arith.addf %dot_general3A_75, %add3A_79 : vector<64x2xf32>
    %reduce_max3A = arith.constant dense<0xFF800000> : vector<64xf32>
    %reduce_max3A_81 = vector.multi_reduction <maximumf>, %add3A_80, %reduce_max3A [1] : vector<64x2xf32> to vector<64xf32>
    %broadcast_in_dim3A = vector.shape_cast %reduce_max3A_81 : vector<64xf32> to vector<64x1xf32>
    %sub3A = vector.broadcast %broadcast_in_dim3A : vector<64x1xf32> to vector<64x2xf32>
    %sub3A_82 = arith.subf %add3A_80, %sub3A : vector<64x2xf32>
    %exp3A = math.exp %sub3A_82 : vector<64x2xf32>
    %reduce_sum3A_83 = arith.constant dense<0.000000e+00> : vector<64xf32>
    %reduce_sum3A_84 = vector.multi_reduction <add>, %exp3A, %reduce_sum3A_83 [1] : vector<64x2xf32> to vector<64xf32>
    %broadcast_in_dim3A_85 = vector.shape_cast %reduce_sum3A_84 : vector<64xf32> to vector<64x1xf32>
    %div3A = vector.broadcast %broadcast_in_dim3A_85 : vector<64x1xf32> to vector<64x2xf32>
    %div3A_86 = arith.divf %exp3A, %div3A : vector<64x2xf32>
    %swap3A = arith.constant 0 : index
    %swap3A_87 = arith.constant 0 : index
    %swap3A_88 = vector.load %arg10[%swap3A, %swap3A_87] : memref<64x2xf32, #tpu.memory_space<vmem>>, vector<64x2xf32>
    tpu.vector_store %arg10[%swap3A, %swap3A_87], %div3A_86 {strides = array<i32>} : memref<64x2xf32, #tpu.memory_space<vmem>>, vector<64x2xf32>,
    return
  }
  func.func @transform_0(%arg0: i32) -> (i32, i32) {
    %c0_i32 = arith.constant 0 : i32
    %c0_i32_0 = arith.constant 0 : i32
    return %arg0, %c0_i32 : i32, i32
  }
  func.func @transform_1(%arg0: i32) -> (i32, i32) {
    %c0_i32 = arith.constant 0 : i32
    %c0_i32_0 = arith.constant 0 : i32
    return %arg0, %c0_i32 : i32, i32
  }
  func.func @transform_2(%arg0: i32) -> (i32, i32) {
    %c0_i32 = arith.constant 0 : i32
    %c0_i32_0 = arith.constant 0 : i32
    %c0_i32_1 = arith.constant 0 : i32
    return %c0_i32, %c0_i32_0 : i32, i32
  }
  func.func @transform_3(%arg0: i32) -> (i32, i32) {
    %c0_i32 = arith.constant 0 : i32
    %c0_i32_0 = arith.constant 0 : i32
    %c0_i32_1 = arith.constant 0 : i32
    return %c0_i32, %c0_i32_0 : i32, i32
  }
  func.func @transform_4(%arg0: i32) -> (i32, i32) {
    %c0_i32 = arith.constant 0 : i32
    %c0_i32_0 = arith.constant 0 : i32
    %c0_i32_1 = arith.constant 0 : i32
    return %c0_i32, %c0_i32_0 : i32, i32
  }
  func.func @transform_5(%arg0: i32) -> (i32, i32) {
    %c0_i32 = arith.constant 0 : i32
    %c0_i32_0 = arith.constant 0 : i32
    %c0_i32_1 = arith.constant 0 : i32
    return %c0_i32, %c0_i32_0 : i32, i32
  }
  func.func @transform_6(%arg0: i32) -> (i32, i32) {
    %c0_i32 = arith.constant 0 : i32
    %c0_i32_0 = arith.constant 0 : i32
    %c0_i32_1 = arith.constant 0 : i32
    return %c0_i32, %c0_i32_0 : i32, i32
  }
  func.func @transform_7(%arg0: i32) -> (i32, i32) {
    %c0_i32 = arith.constant 0 : i32
    %c0_i32_0 = arith.constant 0 : i32
    %c0_i32_1 = arith.constant 0 : i32
    return %c0_i32, %c0_i32_0 : i32, i32
  }
  func.func @transform_8(%arg0: i32) -> (i32, i32) {
    %c0_i32 = arith.constant 0 : i32
    %c0_i32_0 = arith.constant 0 : i32
    %c0_i32_1 = arith.constant 0 : i32
    return %c0_i32, %c0_i32_0 : i32, i32
  }
  func.func @transform_9(%arg0: i32) -> (i32, i32) {
    %c0_i32 = arith.constant 0 : i32
    %c0_i32_0 = arith.constant 0 : i32
    return %arg0, %c0_i32 : i32, i32
  }
}

</mosaic_0001>

<sc_bundles>
// kernel: kernel.14.cloned.1.call-start
scs
__scs_entry_jumppad:
0x0: {  	(pc) =	sbr.rel $0x88, $3  }
0x1: {  	(tag) =	ssettag $0x0;
	lr =	simm.s32 $0x1  }
0x2: {  	[smem:$0x3F9A] =	sst lr;
	_ =	strace $0xD0000000  }
0x3: {  	_ = 	snop  }
0x4: {  	_ = 	snop  }
0x5: {  	_ = 	snop  }
0x6: {  	_ = 	snop  }
0x7: {  	_ = 	snop  }
__scs_overlays_trampoline_lowered:
0x8: {  	[smem:$0x3FA9] =	sst s0  }
0x9: {  	[smem:$0x3FAA] =	sst s1  }
0xa: {  	[smem:$0x3FAB] =	sst s2  }
0xb: {  	[smem:$0x3FAC] =	sst s3  }
0xc: {  	[smem:$0x3FAD] =	sst s4  }
0xd: {  	[smem:$0x3FAE] =	sst s5  }
0xe: {  	[smem:$0x3FAF] =	sst s6  }
0xf: {  	[smem:$0x3FB0] =	sst s7  }
0x10: {  	[smem:$0x3FB1] =	sst s8  }
0x11: {  	[smem:$0x3FB2] =	sst s9;
	s0 =	simm.s32 @!p0 $0x0  }
0x12: {  	s1 =	sld [smem:$0x3F98];
	s0 =	simm.s32 @p0 $0x1  }
0x13: {  	[smem:$0x3FB3] =	sst s0;
	s0 =	simm.s32 @!p1 $0x0  }
0x14: {  	s2 =	sld [smem:$0x3F97];
	s0 =	simm.s32 @p1 $0x1  }
0x15: {  	[smem:$0x3FB4] =	sst s0;
	s0 =	simm.s32 @!p2 $0x0  }
0x16: {  	s3 =	sld [smem:$0x3FDB];
	s0 =	simm.s32 @p2 $0x1  }
0x17: {  	s4 =	simm.s32 $0x1BF5;
	[smem:$0x3FB6] =	sst s0  }
0x18: {  	s0 =	sld [smem:$0x3F99];
	_ =	swait.ge [sflag:s4], $0x0  }
0x19: {  	s7 =	sld [smem:$0x3F9A]  }
0x1a: {  	s8 =	sadd.s32 $0xFFFFE003, lr  }
0x1b: {  	s9 =	sadd.s32 $0xFFFFFEF7, lr;
	s5 =	simm.s32 $0xFFFFFFFF;
	p2 =	slt.u32 s8, $0xFFFFF086  }
0x1c: {  	p1 =	slt.u32 s9, $0xF7A;
	s5 =	simm.s32 @!p2 $0x0  }
0x1d: {  	s5 =	simm.s32 @p1 $0x1;
	p0 =	seq.s32 s7, s2  }
0x1e: {  	s7 =	smul.u32 @!p0 $0xF7A, s2;
	p2 =	seq.s32 @!p0 s5, $0x0  }
0x1f: {  	s9 =	smul.u32 $0xF7A, s1;
	s8 =	simm.s32 @!p0 $0x1BF5;
	p2 =	por !p2, p0  }
0x20: {  	[sflag:s8] =	ssyncset.s32 @!p0 $0xFFFFF086;
	s6 =	sadd.s32 @!p0 s3, s7;
	s7 =	simm.s32 @!p0 $0x108  }
0x21: {  	s3 =	sadd.s32 s3, s9;
	s6 =	sadd.s32 @!p0 $0x88, s6;
	s7 =	simm.s32 @p2 $0x1082  }
0x22: {  	[simem:s7], [sflag:s8] =	dma.local @!p0 [hbm:s6], $0xF7A  }
0x23: {  	s9 =	sor.u32 $0xD0000000, s2;
	s6 =	simm.s32 $0x108;
	_ =	swait.ge @!p0 [sflag:s8], $0x0  }
0x24: {  	s3 =	sadd.s32 $0x88, s3;
	s6 =	simm.s32 @!p1 $0x1082;
	[sflag:s4] =	ssyncset.s32 $0xFFFFF086  }
0x25: {  	[simem:s6], [sflag:s4] =	dma.local [hbm:s3], $0xF7A  }
0x26: {  	[smem:$0x3F9A] =	sst s1;
	(tag) =	ssettag s2;
	_ =	strace s9  }
0x27: {  	s1 =	sld [smem:$0x3FAA]  }
0x28: {  	s2 =	sld [smem:$0x3FAB]  }
0x29: {  	s4 =	sld [smem:$0x3FAD]  }
0x2a: {  	p0 =	seq.s32 s5, $0x0;
	s5 =	sld [smem:$0x3FAE]  }
0x2b: {  	s6 =	sld [smem:$0x3FAF]  }
0x2c: {  	s7 =	sld [smem:$0x3FB0]  }
0x2d: {  	s3 =	simm.s32 $0x108;
	s8 =	sld [smem:$0x3FB1]  }
0x2e: {  	s3 =	simm.s32 @!p0 $0x1082;
	s9 =	sld [smem:$0x3FB2]  }
0x2f: {  	lr =	sadd.s32 s0, s3;
	s0 =	sld [smem:$0x3FA9]  }
0x30: {  	s3 =	sld [smem:$0x3FAC]  }
0x31: {  	[smem:$0x3FB5] =	sst s10  }
0x32: {  	s10 =	sld [smem:$0x3FB3];
	_ =	sdelay $0x3  }
0x33: {  	p0 =	seq.s32 s10, $0x1;
	s10 =	sld [smem:$0x3FB5];
	_ =	sdelay $0x3  }
0x34: {  	[smem:$0x3FB5] =	sst s10  }
0x35: {  	s10 =	sld [smem:$0x3FB4];
	_ =	sdelay $0x3  }
0x36: {  	p1 =	seq.s32 s10, $0x1;
	s10 =	sld [smem:$0x3FB5];
	_ =	sdelay $0x3  }
0x37: {  	[smem:$0x3FB5] =	sst s10  }
0x38: {  	s10 =	sld [smem:$0x3FB6]  }
0x39: {  	_ = 	snop;
	(pc) =	sbr.ind lr, $3  }
0x3a: {  	_ = 	snop  }
0x3b: {  	_ = 	snop  }
0x3c: {  	p2 =	seq.s32 s10, $0x1;
	s10 =	sld [smem:$0x3FB5]  }
0x3d: {  	_ =	shalt  }
0x3e: {  	_ =	shalt  }
0x3f: {  	_ =	shalt  }
0x40: {  	_ =	shalt  }
0x41: {  	_ =	shalt  }
0x42: {  	_ =	shalt  }
0x43: {  	_ =	shalt  }
0x44: {  	_ =	shalt  }
0x45: {  	_ =	shalt  }
0x46: {  	_ =	shalt  }
0x47: {  	_ =	shalt  }
0x48: {  	_ =	shalt  }
0x49: {  	_ =	shalt  }
0x4a: {  	_ =	shalt  }
0x4b: {  	_ =	shalt  }
0x4c: {  	_ =	shalt  }
0x4d: {  	_ =	shalt  }
0x4e: {  	_ =	shalt  }
0x4f: {  	_ =	shalt  }
0x50: {  	_ =	shalt  }
0x51: {  	_ =	shalt  }
0x52: {  	_ =	shalt  }
0x53: {  	_ =	shalt  }
0x54: {  	_ =	shalt  }
0x55: {  	_ =	shalt  }
0x56: {  	_ =	shalt  }
0x57: {  	_ =	shalt  }
0x58: {  	_ =	shalt  }
0x59: {  	_ =	shalt  }
0x5a: {  	_ =	shalt  }
0x5b: {  	_ =	shalt  }
0x5c: {  	_ =	shalt  }
0x5d: {  	_ =	shalt  }
0x5e: {  	_ =	shalt  }
0x5f: {  	_ =	shalt  }
0x60: {  	_ =	shalt  }
0x61: {  	_ =	shalt  }
0x62: {  	_ =	shalt  }
0x63: {  	_ =	shalt  }
0x64: {  	_ =	shalt  }
0x65: {  	_ =	shalt  }
0x66: {  	_ =	shalt  }
0x67: {  	_ =	shalt  }
0x68: {  	_ =	shalt  }
0x69: {  	_ =	shalt  }
0x6a: {  	_ =	shalt  }
0x6b: {  	_ =	shalt  }
0x6c: {  	_ =	shalt  }
0x6d: {  	_ =	shalt  }
0x6e: {  	_ =	shalt  }
0x6f: {  	_ =	shalt  }
0x70: {  	_ =	shalt  }
0x71: {  	_ =	shalt  }
0x72: {  	_ =	shalt  }
0x73: {  	_ =	shalt  }
0x74: {  	_ =	shalt  }
0x75: {  	_ =	shalt  }
0x76: {  	_ =	shalt  }
0x77: {  	_ =	shalt  }
0x78: {  	_ =	shalt  }
0x79: {  	_ =	shalt  }
0x7a: {  	_ =	shalt  }
0x7b: {  	_ =	shalt  }
0x7c: {  	_ =	shalt  }
0x7d: {  	_ =	shalt  }
0x7e: {  	_ =	shalt  }
0x7f: {  	_ =	shalt  }
0x80: {  	_ =	shalt  }
0x81: {  	_ =	shalt  }
0x82: {  	_ =	shalt  }
0x83: {  	_ =	shalt  }
0x84: {  	_ =	shalt  }
0x85: {  	_ =	shalt  }
0x86: {  	_ =	shalt  }
0x87: {  	_ =	shalt  }
.Lfunc_end0:
.L_simem_size_0:
called_computation_lowered:
.L_overlay_start_0:
0x88: {  	s2 =	sld [smem:$0x3FD9]  }
0x89: {  	s3 =	sld [smem:$0x3FFE];
	_ =	sdelay $0x1  }
0x8a: {  	s1 =	srdreg.scid  }
0x8b: {  	s0 =	sand.u32 $0x1, s1  }
0x8c: {  	s17 =	sshll.u32 s0, $0xA;
	s2 =	sadd.s32 s3, s2  }
0x8d: {  	s2 =	sadd.s32 s2, s17  }
0x8e: {  	[smem:$0x3FC1] =	sst s2  }
0x8f: {  	_ = 	snop  }
0x90: {  	(tm) =	ssettm $0x1  }
0x91: {  	s18 =	sld [smem:$0x3FFB];
	_ =	sdelay $0x3  }
0x92: {  	_ =	strace s18  }
0x93: {  	s2 =	sld [smem:$0x3FFC];
	_ =	sdelay $0x3  }
0x94: {  	_ =	strace s2  }
0x95: {  	s2 =	sld [smem:$0x3FFD];
	_ =	sdelay $0x3  }
0x96: {  	_ =	strace s2  }
0x97: {  	_ =	strace $0x8FFFFFFF  }
0x98: {  	s19 =	sld [smem:$0x3FDB];
	_ =	sdelay $0x1  }
0x99: {  	s20 =	simm.s32 $_scs_section_size  }
0x9a: {  	s4 =	simm.s32 $_size__tile_overlayer_lowered;
	s5 =	simm.s32 $_tile_overlayer_lowered  }
0x9b: {  	s6 =	simm.s32 $0x1BFF;
	s21 =	sshll.u32 s5, $0x1;
	s3 =	sadd.s32 s20, s19  }
0x9c: {  	s22 =	simm.s32 $0x0;
	s4 =	sshll.u32 s4, $0x1;
	s5 =	sadd.s32 s21, s3  }
0x9d: {  	[timem:s22], [sflag:s6] =	dma.local [hbm:s5], s4  }
0x9e: {  	_ =	swait.ge [sflag:s6], s4  }
0x9f: {  	s4 =	ssub.s32 $0x0, s4;
	[sflag:s6] =	ssyncset.done $0x0  }
0xa0: {  	[sflag:s6] =	ssyncadd.s32 s4;
	_ =	sdelay $0x1  }
0xa1: {  	s23 =	simm.s32 $0x1B8B  }
0xa2: {  	_ =	swait.ge [sflag:s23], $0x1  }
0xa3: {  	[sflag:s23] =	ssyncset.done $0x0  }
0xa4: {  	[sflag:s23] =	ssyncadd.s32 $0xFFFFFFFF  }
0xa5: {  	s4 =	sld [smem:$0x0]  }
0xa6: {  	s5 =	sand.u32 $0xFFFFFFFE, s1  }
0xa7: {  	p0 =	sne.s32 s1, s5  }
0xa8: {  	s5 =	sshll.u32 @p0 s5, $0xE  }
0xa9: {  	s5 =	sadd.s32 @p0 $0x11B8D, s5;
	s6 =	sshll.u32 @p0 s4, $0x11  }
0xaa: {  	s5 =	sor.u32 @p0 s6, s5  }
0xab: {  	[sflag:s5] =	ssyncadd.remote.s32 @p0 $0x1;
	_ =	sdelay $0x1  }
0xac: {  	s5 =	simm.s32 @p0 $0x1B8D  }
0xad: {  	_ =	swait.eq @p0 [sflag:s5], $0x1  }
0xae: {  	[sflag:s5] =	ssyncadd.s32 @p0 $0xFFFFFFFF  }
0xaf: {  	s6 =	sshll.u32 @!p0 s1, $0xE  }
0xb0: {  	s6 =	sor.u32 @!p0 $0x4000, s6;
	s5 =	simm.s32 @!p0 $0x1B8D  }
0xb1: {  	s4 =	sshll.u32 @!p0 s4, $0x11;
	s6 =	sadd.s32 @!p0 $0x11B8D, s6;
	_ =	swait.eq @!p0 [sflag:s5], $0x1  }
0xb2: {  	s4 =	sor.u32 @!p0 s4, s6;
	[sflag:s5] =	ssyncadd.s32 @!p0 $0xFFFFFFFF  }
0xb3: {  	s25 =	simm.s32 $0x1B8E;
	s24 =	sld [smem:$0x3FFE];
	[sflag:s4] =	ssyncadd.remote.s32 @!p0 $0x1  }
0xb4: {  	s26 =	simm.s32 $execute0_lowered;
	[smem:$0x3FD2] =	sst s25  }
0xb5: {  	s5 =	sshll.u32 s26, $0x1;
	_ =	strace $0x8000004F;
	[dreg:$0x1] =	wrdreg $0xFFFFFFFF  }
0xb6: {  	s28 =	simm.s32 $_size_execute0_lowered;
	s3 =	sadd.s32 s3, s5;
	[dreg:$0x0] =	wrdreg $0x0  }
0xb7: {  	s5 =	sshll.u32 s28, $0x1;
	[dreg:$0x2] =	wrdreg s3  }
0xb8: {  	[dreg:$0x3] =	wrdreg s5  }
0xb9: {  	[dreg:$0x4] =	wrdreg $0xC0  }
0xba: {  	_ =	task [dreg:s22], $0x5FFFF  }
0xbb: {  	[dreg:$0x1] =	wrdreg $0xFFFFFFFF  }
0xbc: {  	[dreg:$0x0] =	wrdreg $0x60  }
0xbd: {  	[dreg:$0x2] =	wrdreg s24  }
0xbe: {  	[dreg:$0x3] =	wrdreg $0x9  }
0xbf: {  	_ =	task.clear_ibuf [dreg:s22], $0x4FFFF;
	_ =	strace $0x9000004F  }
0xc0: {  	s29 =	simm.s32 $0x9;
	_ =	strace $0x80000051  }
0xc1: {  	_ =	swait.ge [sflag:s29], $0x1  }
0xc2: {  	[sflag:s29] =	ssyncadd.s32 $0xFFFFFFFF  }
0xc3: {  	_ =	strace $0x90000051  }
0xc4: {  	_ =	sfence  }
0xc5: {  	s30 =	sld [smem:$0x0];
	_ =	sdelay $0x2  }
0xc6: {  	s31 =	sshll.u32 s1, $0xD;
	s1 =	sshrl.u32 s1, $0x2  }
0xc7: {  	s4 =	sand.u32 $0x4000, s31;
	s1 =	sadd.s32 s1, s30  }
0xc8: {  	s0 =	sor.u32 s4, s0;
	s1 =	sshll.u32 s1, $0x11  }
0xc9: {  	s0 =	sor.u32 s1, s0  }
0xca: {  	s0 =	sadd.s32 $0x8F2B, s0  }
0xcb: {  	[sflag:s0] =	ssyncadd.remote.s32 $0x1  }
0xcc: {  	_ =	sfence.sel $0xFFFF  }
0xcd: {  	[dreg:$0x0] =	wrdreg $0xFFFFFFFF;
	(pc) =	sbr.abs _section_cstart, $3  }
0xce: {  	[dreg:$0x1] =	wrdreg $0xFFFFFFFF  }
0xcf: {  	_ =	task.clear_ibuf [dreg:s22], $0x2FFFF;
	_ =	strace $0x9FFFFFFF  }
0xd0: {  	(tm) =	ssettm $0x7FFFFFFF  }
0xd1: {  	_ =	shalt  }
tec
execute0_lowered:
.L_overlay_start_1:
0x0: {  	(tag) =	ssettag $0x1  }
0x1: {  	s1 =	srdreg.scid;
	s0 =	stileid.u32  }
0x2: {  	s6 =	sand.u32 $0x1, s1;
	s30 =	sshll.u32 s0, $0x1  }
0x3: {  	s8 =	rddreg [dreg:$0x0];
	s7 =	sor.u32 s6, s30  }
0x4: {  	s2 =	simm.s32 $0x0;
	s1 =	rddreg [dreg:$0x1];
	s3 =	smul.u32 $0x180, s7  }
0x5: {  	[smem:$0x7FF] =	sst s2;
	s5 =	sadd.s32 $0x70400, s8  }
0x6: {  	_ =	strace $0x80000050;
	s10 =	ssub.s32 $0x2, s6;
	s3 =	sadd.s32 s3, s8  }
0x7: {  	s6 =	simm.s32 $0x800;
	s4 =	sadd.s32 $0x6D400, s3;
	s3 =	simm.s32 $0x2  }
0x8: {  	[tilespmem:s2], [sflag:$0x2] =	stream.linear.gather [hbm4b:s4+s2], $0x800, $0x38;
	[tilespmem:$0x4800] =	vst v63  }
0x9: {  	s9 =	smul.u32 $0xC00, s7;
	s11 =	sshrl.u32 s10, $0x1;
	_ =	swait.ge [sflag:s3], $0x800  }
0xa: {  	s7 =	simm.s32 $0x1;
	s31 =	ssub.s32 s10, s11;
	[sflag:s3] =	ssyncset.done $0x0  }
0xb: {  	s8 =	sadd.s32 s9, s8;
	s9 =	smax.u32 s31, $0x1;
	[sflag:s3] =	ssyncadd.s32 $0xFFFFF800  }
0xc: {  	[tilespmem:s6], [sflag:$0x1] =	stream.indirect.gather [hbm4b:s5+s6], $0x8, s2, s6, $0xb8;
	[tilespmem:$0x4800] =	vst v63  }
0xd: {  	p0 =	sne.s32 s9, $0x1;
	_ =	swait.ge [sflag:s7], $0x4000  }
.Ltmp0:
0xe: {  	[sflag:s7] =	ssyncset.done $0x0;
	(pc) =	sbr.rel @!p0 .LBB2_2-.Ltmp0, $4  }
0xf: {  	s8 =	sadd.s32 $0x78400, s8;
	[sflag:s7] =	ssyncadd.s32 $0xFFFFC000  }
0x10: {  	[hbm4b:s8+s2] =	stream.linear.scatter [tilespmem:s6], [sflag:$0x2], $0x4000, $0x38;
	[tilespmem:$0x4800] =	vst v63  }
0x11: {  	_ =	swait.ge [sflag:s3], $0x4000  }
0x12: {  	s9 =	sadd.s32 $0xFFFFFFFF, s9;
	[sflag:s3] =	ssyncset.done $0x0  }
.LBB2_1:
0x13: {  	p0 =	sne.s32 s9, $0x1;
	s9 =	sadd.s32 $0xFFFFFFFF, s9;
	[sflag:s3] =	ssyncadd.s32 $0xFFFFC000  }
0x14: {  	[tilespmem:s2], [sflag:$0x2] =	stream.linear.gather [hbm4b:s4+s2], $0x800, $0x38;
	[tilespmem:$0x4800] =	vst v63  }
0x15: {  	_ =	swait.ge [sflag:s3], $0x800  }
0x16: {  	[sflag:s3] =	ssyncset.done $0x0  }
0x17: {  	[sflag:s3] =	ssyncadd.s32 $0xFFFFF800  }
0x18: {  	[tilespmem:s6], [sflag:$0x1] =	stream.indirect.gather [hbm4b:s5+s6], $0x8, s2, s6, $0xb8;
	[tilespmem:$0x4800] =	vst v63  }
0x19: {  	_ =	swait.ge [sflag:s7], $0x4000  }
.Ltmp1:
0x1a: {  	[sflag:s7] =	ssyncset.done $0x0;
	(pc) =	sbr.rel @p0 .LBB2_1-.Ltmp1, $4  }
0x1b: {  	[sflag:s7] =	ssyncadd.s32 $0xFFFFC000  }
0x1c: {  	[hbm4b:s8+s2] =	stream.linear.scatter [tilespmem:s6], [sflag:$0x2], $0x4000, $0x38;
	[tilespmem:$0x4800] =	vst v63  }
0x1d: {  	_ =	swait.ge [sflag:s3], $0x4000  }
0x1e: {  	[sflag:s3] =	ssyncset.done $0x0  }
.LBB2_2:
0x1f: {  	[sflag:s3] =	ssyncadd.s32 $0xFFFFC000  }
0x20: {  	_ =	sfence.sel $0x180000  }
0x21: {  	[bflag:$0x0] =	sbarrier.arrive $0xFFFF  }
0x22: {  	p0 =	sne.s32 s0, $0x0;
	_ =	strace $0x90000050  }
0x23: {  	s0 =	sadd.s32 @!p0 $0x100000, s1;
	[bflag:$0x2] =	sbarrier.arrive $0xFFFF  }
0x24: {  	[sflag:s0] =	ssyncadd.tile.s32 @!p0 $0x1;
	_ =	shalt  }
.Lfunc_end2:
_tile_overlayer_lowered:
.L_overlay_start_2:
0x25: {  	(tag) =	ssettag $0x2  }
0x26: {  	s0 =	rddreg [dreg:$0x0];
	s2 =	stileid.u32  }
0x27: {  	s1 =	rddreg [dreg:$0x1];
	p0 =	sne.s32 s2, $0x0  }
0x28: {  	s3 =	rddreg [dreg:$0x2];
	[bflag:$0x3] =	sbarrier.arrive $0xFFFF;
	s2 =	simm.s32 @!p0 $0x1C02  }
0x29: {  	[timem:s3], [sflag:s2] =	dma.local @!p0 [hbm:s0], s1  }
0x2a: {  	s0 =	simm.s32 @!p0 $0x2  }
0x2b: {  	_ =	swait.ge @!p0 [sflag:s0], s1  }
0x2c: {  	s1 =	ssub.s32 @!p0 $0x0, s1;
	[sflag:s0] =	ssyncset.done @!p0 $0x0  }
0x2d: {  	[sflag:s0] =	ssyncadd.s32 @!p0 s1  }
0x2e: {  	[bflag:$0x3] =	sbarrier.arrive $0xFFFF  }
0x2f: {  	_ =	shalt  }

// kernel: kernel.17.cloned.1.call-start
scs
__scs_entry_jumppad:
0x0: {  	(pc) =	sbr.rel $0x88, $3  }
0x1: {  	(tag) =	ssettag $0x0;
	lr =	simm.s32 $0x1  }
0x2: {  	[smem:$0x3F9A] =	sst lr;
	_ =	strace $0xD0000000  }
0x3: {  	_ = 	snop  }
0x4: {  	_ = 	snop  }
0x5: {  	_ = 	snop  }
0x6: {  	_ = 	snop  }
0x7: {  	_ = 	snop  }
__scs_overlays_trampoline_lowered:
0x8: {  	[smem:$0x3FA9] =	sst s0  }
0x9: {  	[smem:$0x3FAA] =	sst s1  }
0xa: {  	[smem:$0x3FAB] =	sst s2  }
0xb: {  	[smem:$0x3FAC] =	sst s3  }
0xc: {  	[smem:$0x3FAD] =	sst s4  }
0xd: {  	[smem:$0x3FAE] =	sst s5  }
0xe: {  	[smem:$0x3FAF] =	sst s6  }
0xf: {  	[smem:$0x3FB0] =	sst s7  }
0x10: {  	[smem:$0x3FB1] =	sst s8  }
0x11: {  	[smem:$0x3FB2] =	sst s9;
	s0 =	simm.s32 @!p0 $0x0  }
0x12: {  	s1 =	sld [smem:$0x3F98];
	s0 =	simm.s32 @p0 $0x1  }
0x13: {  	[smem:$0x3FB3] =	sst s0;
	s0 =	simm.s32 @!p1 $0x0  }
0x14: {  	s2 =	sld [smem:$0x3F97];
	s0 =	simm.s32 @p1 $0x1  }
0x15: {  	[smem:$0x3FB4] =	sst s0;
	s0 =	simm.s32 @!p2 $0x0  }
0x16: {  	s3 =	sld [smem:$0x3FDB];
	s0 =	simm.s32 @p2 $0x1  }
0x17: {  	s4 =	simm.s32 $0x1BF5;
	[smem:$0x3FB6] =	sst s0  }
0x18: {  	s0 =	sld [smem:$0x3F99];
	_ =	swait.ge [sflag:s4], $0x0  }
0x19: {  	s7 =	sld [smem:$0x3F9A]  }
0x1a: {  	s8 =	sadd.s32 $0xFFFFE003, lr  }
0x1b: {  	s9 =	sadd.s32 $0xFFFFFEF7, lr;
	s5 =	simm.s32 $0xFFFFFFFF;
	p2 =	slt.u32 s8, $0xFFFFF086  }
0x1c: {  	p1 =	slt.u32 s9, $0xF7A;
	s5 =	simm.s32 @!p2 $0x0  }
0x1d: {  	s5 =	simm.s32 @p1 $0x1;
	p0 =	seq.s32 s7, s2  }
0x1e: {  	s7 =	smul.u32 @!p0 $0xF7A, s2;
	p2 =	seq.s32 @!p0 s5, $0x0  }
0x1f: {  	s9 =	smul.u32 $0xF7A, s1;
	s8 =	simm.s32 @!p0 $0x1BF5;
	p2 =	por !p2, p0  }
0x20: {  	[sflag:s8] =	ssyncset.s32 @!p0 $0xFFFFF086;
	s6 =	sadd.s32 @!p0 s3, s7;
	s7 =	simm.s32 @!p0 $0x108  }
0x21: {  	s3 =	sadd.s32 s3, s9;
	s6 =	sadd.s32 @!p0 $0x88, s6;
	s7 =	simm.s32 @p2 $0x1082  }
0x22: {  	[simem:s7], [sflag:s8] =	dma.local @!p0 [hbm:s6], $0xF7A  }
0x23: {  	s9 =	sor.u32 $0xD0000000, s2;
	s6 =	simm.s32 $0x108;
	_ =	swait.ge @!p0 [sflag:s8], $0x0  }
0x24: {  	s3 =	sadd.s32 $0x88, s3;
	s6 =	simm.s32 @!p1 $0x1082;
	[sflag:s4] =	ssyncset.s32 $0xFFFFF086  }
0x25: {  	[simem:s6], [sflag:s4] =	dma.local [hbm:s3], $0xF7A  }
0x26: {  	[smem:$0x3F9A] =	sst s1;
	(tag) =	ssettag s2;
	_ =	strace s9  }
0x27: {  	s1 =	sld [smem:$0x3FAA]  }
0x28: {  	s2 =	sld [smem:$0x3FAB]  }
0x29: {  	s4 =	sld [smem:$0x3FAD]  }
0x2a: {  	p0 =	seq.s32 s5, $0x0;
	s5 =	sld [smem:$0x3FAE]  }
0x2b: {  	s6 =	sld [smem:$0x3FAF]  }
0x2c: {  	s7 =	sld [smem:$0x3FB0]  }
0x2d: {  	s3 =	simm.s32 $0x108;
	s8 =	sld [smem:$0x3FB1]  }
0x2e: {  	s3 =	simm.s32 @!p0 $0x1082;
	s9 =	sld [smem:$0x3FB2]  }
0x2f: {  	lr =	sadd.s32 s0, s3;
	s0 =	sld [smem:$0x3FA9]  }
0x30: {  	s3 =	sld [smem:$0x3FAC]  }
0x31: {  	[smem:$0x3FB5] =	sst s10  }
0x32: {  	s10 =	sld [smem:$0x3FB3];
	_ =	sdelay $0x3  }
0x33: {  	p0 =	seq.s32 s10, $0x1;
	s10 =	sld [smem:$0x3FB5];
	_ =	sdelay $0x3  }
0x34: {  	[smem:$0x3FB5] =	sst s10  }
0x35: {  	s10 =	sld [smem:$0x3FB4];
	_ =	sdelay $0x3  }
0x36: {  	p1 =	seq.s32 s10, $0x1;
	s10 =	sld [smem:$0x3FB5];
	_ =	sdelay $0x3  }
0x37: {  	[smem:$0x3FB5] =	sst s10  }
0x38: {  	s10 =	sld [smem:$0x3FB6]  }
0x39: {  	_ = 	snop;
	(pc) =	sbr.ind lr, $3  }
0x3a: {  	_ = 	snop  }
0x3b: {  	_ = 	snop  }
0x3c: {  	p2 =	seq.s32 s10, $0x1;
	s10 =	sld [smem:$0x3FB5]  }
0x3d: {  	_ =	shalt  }
0x3e: {  	_ =	shalt  }
0x3f: {  	_ =	shalt  }
0x40: {  	_ =	shalt  }
0x41: {  	_ =	shalt  }
0x42: {  	_ =	shalt  }
0x43: {  	_ =	shalt  }
0x44: {  	_ =	shalt  }
0x45: {  	_ =	shalt  }
0x46: {  	_ =	shalt  }
0x47: {  	_ =	shalt  }
0x48: {  	_ =	shalt  }
0x49: {  	_ =	shalt  }
0x4a: {  	_ =	shalt  }
0x4b: {  	_ =	shalt  }
0x4c: {  	_ =	shalt  }
0x4d: {  	_ =	shalt  }
0x4e: {  	_ =	shalt  }
0x4f: {  	_ =	shalt  }
0x50: {  	_ =	shalt  }
0x51: {  	_ =	shalt  }
0x52: {  	_ =	shalt  }
0x53: {  	_ =	shalt  }
0x54: {  	_ =	shalt  }
0x55: {  	_ =	shalt  }
0x56: {  	_ =	shalt  }
0x57: {  	_ =	shalt  }
0x58: {  	_ =	shalt  }
0x59: {  	_ =	shalt  }
0x5a: {  	_ =	shalt  }
0x5b: {  	_ =	shalt  }
0x5c: {  	_ =	shalt  }
0x5d: {  	_ =	shalt  }
0x5e: {  	_ =	shalt  }
0x5f: {  	_ =	shalt  }
0x60: {  	_ =	shalt  }
0x61: {  	_ =	shalt  }
0x62: {  	_ =	shalt  }
0x63: {  	_ =	shalt  }
0x64: {  	_ =	shalt  }
0x65: {  	_ =	shalt  }
0x66: {  	_ =	shalt  }
0x67: {  	_ =	shalt  }
0x68: {  	_ =	shalt  }
0x69: {  	_ =	shalt  }
0x6a: {  	_ =	shalt  }
0x6b: {  	_ =	shalt  }
0x6c: {  	_ =	shalt  }
0x6d: {  	_ =	shalt  }
0x6e: {  	_ =	shalt  }
0x6f: {  	_ =	shalt  }
0x70: {  	_ =	shalt  }
0x71: {  	_ =	shalt  }
0x72: {  	_ =	shalt  }
0x73: {  	_ =	shalt  }
0x74: {  	_ =	shalt  }
0x75: {  	_ =	shalt  }
0x76: {  	_ =	shalt  }
0x77: {  	_ =	shalt  }
0x78: {  	_ =	shalt  }
0x79: {  	_ =	shalt  }
0x7a: {  	_ =	shalt  }
0x7b: {  	_ =	shalt  }
0x7c: {  	_ =	shalt  }
0x7d: {  	_ =	shalt  }
0x7e: {  	_ =	shalt  }
0x7f: {  	_ =	shalt  }
0x80: {  	_ =	shalt  }
0x81: {  	_ =	shalt  }
0x82: {  	_ =	shalt  }
0x83: {  	_ =	shalt  }
0x84: {  	_ =	shalt  }
0x85: {  	_ =	shalt  }
0x86: {  	_ =	shalt  }
0x87: {  	_ =	shalt  }
.Lfunc_end0:
.L_simem_size_0:
called_computation.1_lowered:
.L_overlay_start_0:
0x88: {  	s2 =	sld [smem:$0x3FD9]  }
0x89: {  	s3 =	sld [smem:$0x3FFE];
	_ =	sdelay $0x1  }
0x8a: {  	s1 =	srdreg.scid  }
0x8b: {  	s0 =	sand.u32 $0x1, s1  }
0x8c: {  	s17 =	sshll.u32 s0, $0xA;
	s2 =	sadd.s32 s3, s2  }
0x8d: {  	s2 =	sadd.s32 s2, s17  }
0x8e: {  	[smem:$0x3FC1] =	sst s2  }
0x8f: {  	_ = 	snop  }
0x90: {  	(tm) =	ssettm $0x1  }
0x91: {  	s18 =	sld [smem:$0x3FFB];
	_ =	sdelay $0x3  }
0x92: {  	_ =	strace s18  }
0x93: {  	s2 =	sld [smem:$0x3FFC];
	_ =	sdelay $0x3  }
0x94: {  	_ =	strace s2  }
0x95: {  	s2 =	sld [smem:$0x3FFD];
	_ =	sdelay $0x3  }
0x96: {  	_ =	strace s2  }
0x97: {  	_ =	strace $0x8FFFFFFF  }
0x98: {  	s19 =	sld [smem:$0x3FDB];
	_ =	sdelay $0x1  }
0x99: {  	s20 =	simm.s32 $_scs_section_size  }
0x9a: {  	s4 =	simm.s32 $_size__tile_overlayer_lowered;
	s5 =	simm.s32 $_tile_overlayer_lowered  }
0x9b: {  	s6 =	simm.s32 $0x1BFF;
	s21 =	sshll.u32 s5, $0x1;
	s3 =	sadd.s32 s20, s19  }
0x9c: {  	s22 =	simm.s32 $0x0;
	s4 =	sshll.u32 s4, $0x1;
	s5 =	sadd.s32 s21, s3  }
0x9d: {  	[timem:s22], [sflag:s6] =	dma.local [hbm:s5], s4  }
0x9e: {  	_ =	swait.ge [sflag:s6], s4  }
0x9f: {  	s4 =	ssub.s32 $0x0, s4;
	[sflag:s6] =	ssyncset.done $0x0  }
0xa0: {  	[sflag:s6] =	ssyncadd.s32 s4;
	_ =	sdelay $0x1  }
0xa1: {  	s23 =	simm.s32 $0x1B8B  }
0xa2: {  	_ =	swait.ge [sflag:s23], $0x1  }
0xa3: {  	[sflag:s23] =	ssyncset.done $0x0  }
0xa4: {  	[sflag:s23] =	ssyncadd.s32 $0xFFFFFFFF  }
0xa5: {  	s4 =	sld [smem:$0x0]  }
0xa6: {  	s5 =	sand.u32 $0xFFFFFFFE, s1  }
0xa7: {  	p0 =	sne.s32 s1, s5  }
0xa8: {  	s5 =	sshll.u32 @p0 s5, $0xE  }
0xa9: {  	s5 =	sadd.s32 @p0 $0x11B8D, s5;
	s6 =	sshll.u32 @p0 s4, $0x11  }
0xaa: {  	s5 =	sor.u32 @p0 s6, s5  }
0xab: {  	[sflag:s5] =	ssyncadd.remote.s32 @p0 $0x1;
	_ =	sdelay $0x1  }
0xac: {  	s5 =	simm.s32 @p0 $0x1B8D  }
0xad: {  	_ =	swait.eq @p0 [sflag:s5], $0x1  }
0xae: {  	[sflag:s5] =	ssyncadd.s32 @p0 $0xFFFFFFFF  }
0xaf: {  	s6 =	sshll.u32 @!p0 s1, $0xE  }
0xb0: {  	s6 =	sor.u32 @!p0 $0x4000, s6;
	s5 =	simm.s32 @!p0 $0x1B8D  }
0xb1: {  	s4 =	sshll.u32 @!p0 s4, $0x11;
	s6 =	sadd.s32 @!p0 $0x11B8D, s6;
	_ =	swait.eq @!p0 [sflag:s5], $0x1  }
0xb2: {  	s4 =	sor.u32 @!p0 s4, s6;
	[sflag:s5] =	ssyncadd.s32 @!p0 $0xFFFFFFFF  }
0xb3: {  	s25 =	simm.s32 $0x1B8E;
	s24 =	sld [smem:$0x3FFE];
	[sflag:s4] =	ssyncadd.remote.s32 @!p0 $0x1  }
0xb4: {  	s26 =	simm.s32 $execute0_lowered;
	[smem:$0x3FD2] =	sst s25  }
0xb5: {  	s5 =	sshll.u32 s26, $0x1;
	_ =	strace $0x8000004C;
	[dreg:$0x1] =	wrdreg $0xFFFFFFFF  }
0xb6: {  	s28 =	simm.s32 $_size_execute0_lowered;
	s3 =	sadd.s32 s3, s5;
	[dreg:$0x0] =	wrdreg $0x0  }
0xb7: {  	s5 =	sshll.u32 s28, $0x1;
	[dreg:$0x2] =	wrdreg s3  }
0xb8: {  	[dreg:$0x3] =	wrdreg s5  }
0xb9: {  	[dreg:$0x4] =	wrdreg $0xC0  }
0xba: {  	_ =	task [dreg:s22], $0x5FFFF  }
0xbb: {  	[dreg:$0x1] =	wrdreg $0xFFFFFFFF  }
0xbc: {  	[dreg:$0x0] =	wrdreg $0x60  }
0xbd: {  	[dreg:$0x2] =	wrdreg s24  }
0xbe: {  	[dreg:$0x3] =	wrdreg $0xA  }
0xbf: {  	_ =	task.clear_ibuf [dreg:s22], $0x4FFFF;
	_ =	strace $0x9000004C  }
0xc0: {  	s29 =	simm.s32 $0xA;
	_ =	strace $0x8000004E  }
0xc1: {  	_ =	swait.ge [sflag:s29], $0x1  }
0xc2: {  	[sflag:s29] =	ssyncadd.s32 $0xFFFFFFFF  }
0xc3: {  	_ =	strace $0x9000004E  }
0xc4: {  	_ =	sfence  }
0xc5: {  	s30 =	sld [smem:$0x0];
	_ =	sdelay $0x2  }
0xc6: {  	s31 =	sshll.u32 s1, $0xD;
	s1 =	sshrl.u32 s1, $0x2  }
0xc7: {  	s4 =	sand.u32 $0x4000, s31;
	s1 =	sadd.s32 s1, s30  }
0xc8: {  	s0 =	sor.u32 s4, s0;
	s1 =	sshll.u32 s1, $0x11  }
0xc9: {  	s0 =	sor.u32 s1, s0  }
0xca: {  	s0 =	sadd.s32 $0x8F2B, s0  }
0xcb: {  	[sflag:s0] =	ssyncadd.remote.s32 $0x1  }
0xcc: {  	_ =	sfence.sel $0xFFFF  }
0xcd: {  	[dreg:$0x0] =	wrdreg $0xFFFFFFFF;
	(pc) =	sbr.abs _section_cstart, $3  }
0xce: {  	[dreg:$0x1] =	wrdreg $0xFFFFFFFF  }
0xcf: {  	_ =	task.clear_ibuf [dreg:s22], $0x2FFFF;
	_ =	strace $0x9FFFFFFF  }
0xd0: {  	(tm) =	ssettm $0x7FFFFFFF  }
0xd1: {  	_ =	shalt  }
tec
execute0_lowered:
.L_overlay_start_1:
0x0: {  	(tag) =	ssettag $0x1  }
0x1: {  	s1 =	srdreg.scid;
	s0 =	stileid.u32  }
0x2: {  	s6 =	sand.u32 $0x1, s1;
	s30 =	sshll.u32 s0, $0x1  }
0x3: {  	s8 =	rddreg [dreg:$0x0];
	s7 =	sor.u32 s6, s30  }
0x4: {  	s2 =	simm.s32 $0x0;
	s1 =	rddreg [dreg:$0x1];
	s3 =	smul.u32 $0x180, s7  }
0x5: {  	[smem:$0x7FF] =	sst s2;
	s5 =	sadd.s32 $0x4D400, s8  }
0x6: {  	_ =	strace $0x8000004D;
	s10 =	ssub.s32 $0x2, s6;
	s3 =	sadd.s32 s3, s8  }
0x7: {  	s6 =	simm.s32 $0x800;
	s4 =	sadd.s32 $0x4A400, s3;
	s3 =	simm.s32 $0x2  }
0x8: {  	[tilespmem:s2], [sflag:$0x2] =	stream.linear.gather [hbm4b:s4+s2], $0x800, $0x38;
	[tilespmem:$0x4800] =	vst v63  }
0x9: {  	s9 =	smul.u32 $0xC00, s7;
	s11 =	sshrl.u32 s10, $0x1;
	_ =	swait.ge [sflag:s3], $0x800  }
0xa: {  	s7 =	simm.s32 $0x1;
	s31 =	ssub.s32 s10, s11;
	[sflag:s3] =	ssyncset.done $0x0  }
0xb: {  	s8 =	sadd.s32 s9, s8;
	s9 =	smax.u32 s31, $0x1;
	[sflag:s3] =	ssyncadd.s32 $0xFFFFF800  }
0xc: {  	[tilespmem:s6], [sflag:$0x1] =	stream.indirect.gather [hbm4b:s5+s6], $0x8, s2, s6, $0xb8;
	[tilespmem:$0x4800] =	vst v63  }
0xd: {  	p0 =	sne.s32 s9, $0x1;
	_ =	swait.ge [sflag:s7], $0x4000  }
.Ltmp0:
0xe: {  	[sflag:s7] =	ssyncset.done $0x0;
	(pc) =	sbr.rel @!p0 .LBB2_2-.Ltmp0, $4  }
0xf: {  	s8 =	sadd.s32 $0x55400, s8;
	[sflag:s7] =	ssyncadd.s32 $0xFFFFC000  }
0x10: {  	[hbm4b:s8+s2] =	stream.linear.scatter [tilespmem:s6], [sflag:$0x2], $0x4000, $0x38;
	[tilespmem:$0x4800] =	vst v63  }
0x11: {  	_ =	swait.ge [sflag:s3], $0x4000  }
0x12: {  	s9 =	sadd.s32 $0xFFFFFFFF, s9;
	[sflag:s3] =	ssyncset.done $0x0  }
.LBB2_1:
0x13: {  	p0 =	sne.s32 s9, $0x1;
	s9 =	sadd.s32 $0xFFFFFFFF, s9;
	[sflag:s3] =	ssyncadd.s32 $0xFFFFC000  }
0x14: {  	[tilespmem:s2], [sflag:$0x2] =	stream.linear.gather [hbm4b:s4+s2], $0x800, $0x38;
	[tilespmem:$0x4800] =	vst v63  }
0x15: {  	_ =	swait.ge [sflag:s3], $0x800  }
0x16: {  	[sflag:s3] =	ssyncset.done $0x0  }
0x17: {  	[sflag:s3] =	ssyncadd.s32 $0xFFFFF800  }
0x18: {  	[tilespmem:s6], [sflag:$0x1] =	stream.indirect.gather [hbm4b:s5+s6], $0x8, s2, s6, $0xb8;
	[tilespmem:$0x4800] =	vst v63  }
0x19: {  	_ =	swait.ge [sflag:s7], $0x4000  }
.Ltmp1:
0x1a: {  	[sflag:s7] =	ssyncset.done $0x0;
	(pc) =	sbr.rel @p0 .LBB2_1-.Ltmp1, $4  }
0x1b: {  	[sflag:s7] =	ssyncadd.s32 $0xFFFFC000  }
0x1c: {  	[hbm4b:s8+s2] =	stream.linear.scatter [tilespmem:s6], [sflag:$0x2], $0x4000, $0x38;
	[tilespmem:$0x4800] =	vst v63  }
0x1d: {  	_ =	swait.ge [sflag:s3], $0x4000  }
0x1e: {  	[sflag:s3] =	ssyncset.done $0x0  }
.LBB2_2:
0x1f: {  	[sflag:s3] =	ssyncadd.s32 $0xFFFFC000  }
0x20: {  	_ =	sfence.sel $0x180000  }
0x21: {  	[bflag:$0x0] =	sbarrier.arrive $0xFFFF  }
0x22: {  	p0 =	sne.s32 s0, $0x0;
	_ =	strace $0x9000004D  }
0x23: {  	s0 =	sadd.s32 @!p0 $0x100000, s1;
	[bflag:$0x2] =	sbarrier.arrive $0xFFFF  }
0x24: {  	[sflag:s0] =	ssyncadd.tile.s32 @!p0 $0x1;
	_ =	shalt  }
.Lfunc_end2:
_tile_overlayer_lowered:
.L_overlay_start_2:
0x25: {  	(tag) =	ssettag $0x2  }
0x26: {  	s0 =	rddreg [dreg:$0x0];
	s2 =	stileid.u32  }
0x27: {  	s1 =	rddreg [dreg:$0x1];
	p0 =	sne.s32 s2, $0x0  }
0x28: {  	s3 =	rddreg [dreg:$0x2];
	[bflag:$0x3] =	sbarrier.arrive $0xFFFF;
	s2 =	simm.s32 @!p0 $0x1C02  }
0x29: {  	[timem:s3], [sflag:s2] =	dma.local @!p0 [hbm:s0], s1  }
0x2a: {  	s0 =	simm.s32 @!p0 $0x2  }
0x2b: {  	_ =	swait.ge @!p0 [sflag:s0], s1  }
0x2c: {  	s1 =	ssub.s32 @!p0 $0x0, s1;
	[sflag:s0] =	ssyncset.done @!p0 $0x0  }
0x2d: {  	[sflag:s0] =	ssyncadd.s32 @!p0 s1  }
0x2e: {  	[bflag:$0x3] =	sbarrier.arrive $0xFFFF  }
0x2f: {  	_ =	shalt  }

// kernel: kernel.20.cloned.1.call-start
scs
__scs_entry_jumppad:
0x0: {  	(pc) =	sbr.rel $0x88, $3  }
0x1: {  	(tag) =	ssettag $0x0;
	lr =	simm.s32 $0x1  }
0x2: {  	[smem:$0x3F9A] =	sst lr;
	_ =	strace $0xD0000000  }
0x3: {  	_ = 	snop  }
0x4: {  	_ = 	snop  }
0x5: {  	_ = 	snop  }
0x6: {  	_ = 	snop  }
0x7: {  	_ = 	snop  }
__scs_overlays_trampoline_lowered:
0x8: {  	[smem:$0x3FA9] =	sst s0  }
0x9: {  	[smem:$0x3FAA] =	sst s1  }
0xa: {  	[smem:$0x3FAB] =	sst s2  }
0xb: {  	[smem:$0x3FAC] =	sst s3  }
0xc: {  	[smem:$0x3FAD] =	sst s4  }
0xd: {  	[smem:$0x3FAE] =	sst s5  }
0xe: {  	[smem:$0x3FAF] =	sst s6  }
0xf: {  	[smem:$0x3FB0] =	sst s7  }
0x10: {  	[smem:$0x3FB1] =	sst s8  }
0x11: {  	[smem:$0x3FB2] =	sst s9;
	s0 =	simm.s32 @!p0 $0x0  }
0x12: {  	s1 =	sld [smem:$0x3F98];
	s0 =	simm.s32 @p0 $0x1  }
0x13: {  	[smem:$0x3FB3] =	sst s0;
	s0 =	simm.s32 @!p1 $0x0  }
0x14: {  	s2 =	sld [smem:$0x3F97];
	s0 =	simm.s32 @p1 $0x1  }
0x15: {  	[smem:$0x3FB4] =	sst s0;
	s0 =	simm.s32 @!p2 $0x0  }
0x16: {  	s3 =	sld [smem:$0x3FDB];
	s0 =	simm.s32 @p2 $0x1  }
0x17: {  	s4 =	simm.s32 $0x1BF5;
	[smem:$0x3FB6] =	sst s0  }
0x18: {  	s0 =	sld [smem:$0x3F99];
	_ =	swait.ge [sflag:s4], $0x0  }
0x19: {  	s7 =	sld [smem:$0x3F9A]  }
0x1a: {  	s8 =	sadd.s32 $0xFFFFE003, lr  }
0x1b: {  	s9 =	sadd.s32 $0xFFFFFEF7, lr;
	s5 =	simm.s32 $0xFFFFFFFF;
	p2 =	slt.u32 s8, $0xFFFFF086  }
0x1c: {  	p1 =	slt.u32 s9, $0xF7A;
	s5 =	simm.s32 @!p2 $0x0  }
0x1d: {  	s5 =	simm.s32 @p1 $0x1;
	p0 =	seq.s32 s7, s2  }
0x1e: {  	s7 =	smul.u32 @!p0 $0xF7A, s2;
	p2 =	seq.s32 @!p0 s5, $0x0  }
0x1f: {  	s9 =	smul.u32 $0xF7A, s1;
	s8 =	simm.s32 @!p0 $0x1BF5;
	p2 =	por !p2, p0  }
0x20: {  	[sflag:s8] =	ssyncset.s32 @!p0 $0xFFFFF086;
	s6 =	sadd.s32 @!p0 s3, s7;
	s7 =	simm.s32 @!p0 $0x108  }
0x21: {  	s3 =	sadd.s32 s3, s9;
	s6 =	sadd.s32 @!p0 $0x88, s6;
	s7 =	simm.s32 @p2 $0x1082  }
0x22: {  	[simem:s7], [sflag:s8] =	dma.local @!p0 [hbm:s6], $0xF7A  }
0x23: {  	s9 =	sor.u32 $0xD0000000, s2;
	s6 =	simm.s32 $0x108;
	_ =	swait.ge @!p0 [sflag:s8], $0x0  }
0x24: {  	s3 =	sadd.s32 $0x88, s3;
	s6 =	simm.s32 @!p1 $0x1082;
	[sflag:s4] =	ssyncset.s32 $0xFFFFF086  }
0x25: {  	[simem:s6], [sflag:s4] =	dma.local [hbm:s3], $0xF7A  }
0x26: {  	[smem:$0x3F9A] =	sst s1;
	(tag) =	ssettag s2;
	_ =	strace s9  }
0x27: {  	s1 =	sld [smem:$0x3FAA]  }
0x28: {  	s2 =	sld [smem:$0x3FAB]  }
0x29: {  	s4 =	sld [smem:$0x3FAD]  }
0x2a: {  	p0 =	seq.s32 s5, $0x0;
	s5 =	sld [smem:$0x3FAE]  }
0x2b: {  	s6 =	sld [smem:$0x3FAF]  }
0x2c: {  	s7 =	sld [smem:$0x3FB0]  }
0x2d: {  	s3 =	simm.s32 $0x108;
	s8 =	sld [smem:$0x3FB1]  }
0x2e: {  	s3 =	simm.s32 @!p0 $0x1082;
	s9 =	sld [smem:$0x3FB2]  }
0x2f: {  	lr =	sadd.s32 s0, s3;
	s0 =	sld [smem:$0x3FA9]  }
0x30: {  	s3 =	sld [smem:$0x3FAC]  }
0x31: {  	[smem:$0x3FB5] =	sst s10  }
0x32: {  	s10 =	sld [smem:$0x3FB3];
	_ =	sdelay $0x3  }
0x33: {  	p0 =	seq.s32 s10, $0x1;
	s10 =	sld [smem:$0x3FB5];
	_ =	sdelay $0x3  }
0x34: {  	[smem:$0x3FB5] =	sst s10  }
0x35: {  	s10 =	sld [smem:$0x3FB4];
	_ =	sdelay $0x3  }
0x36: {  	p1 =	seq.s32 s10, $0x1;
	s10 =	sld [smem:$0x3FB5];
	_ =	sdelay $0x3  }
0x37: {  	[smem:$0x3FB5] =	sst s10  }
0x38: {  	s10 =	sld [smem:$0x3FB6]  }
0x39: {  	_ = 	snop;
	(pc) =	sbr.ind lr, $3  }
0x3a: {  	_ = 	snop  }
0x3b: {  	_ = 	snop  }
0x3c: {  	p2 =	seq.s32 s10, $0x1;
	s10 =	sld [smem:$0x3FB5]  }
0x3d: {  	_ =	shalt  }
0x3e: {  	_ =	shalt  }
0x3f: {  	_ =	shalt  }
0x40: {  	_ =	shalt  }
0x41: {  	_ =	shalt  }
0x42: {  	_ =	shalt  }
0x43: {  	_ =	shalt  }
0x44: {  	_ =	shalt  }
0x45: {  	_ =	shalt  }
0x46: {  	_ =	shalt  }
0x47: {  	_ =	shalt  }
0x48: {  	_ =	shalt  }
0x49: {  	_ =	shalt  }
0x4a: {  	_ =	shalt  }
0x4b: {  	_ =	shalt  }
0x4c: {  	_ =	shalt  }
0x4d: {  	_ =	shalt  }
0x4e: {  	_ =	shalt  }
0x4f: {  	_ =	shalt  }
0x50: {  	_ =	shalt  }
0x51: {  	_ =	shalt  }
0x52: {  	_ =	shalt  }
0x53: {  	_ =	shalt  }
0x54: {  	_ =	shalt  }
0x55: {  	_ =	shalt  }
0x56: {  	_ =	shalt  }
0x57: {  	_ =	shalt  }
0x58: {  	_ =	shalt  }
0x59: {  	_ =	shalt  }
0x5a: {  	_ =	shalt  }
0x5b: {  	_ =	shalt  }
0x5c: {  	_ =	shalt  }
0x5d: {  	_ =	shalt  }
0x5e: {  	_ =	shalt  }
0x5f: {  	_ =	shalt  }
0x60: {  	_ =	shalt  }
0x61: {  	_ =	shalt  }
0x62: {  	_ =	shalt  }
0x63: {  	_ =	shalt  }
0x64: {  	_ =	shalt  }
0x65: {  	_ =	shalt  }
0x66: {  	_ =	shalt  }
0x67: {  	_ =	shalt  }
0x68: {  	_ =	shalt  }
0x69: {  	_ =	shalt  }
0x6a: {  	_ =	shalt  }
0x6b: {  	_ =	shalt  }
0x6c: {  	_ =	shalt  }
0x6d: {  	_ =	shalt  }
0x6e: {  	_ =	shalt  }
0x6f: {  	_ =	shalt  }
0x70: {  	_ =	shalt  }
0x71: {  	_ =	shalt  }
0x72: {  	_ =	shalt  }
0x73: {  	_ =	shalt  }
0x74: {  	_ =	shalt  }
0x75: {  	_ =	shalt  }
0x76: {  	_ =	shalt  }
0x77: {  	_ =	shalt  }
0x78: {  	_ =	shalt  }
0x79: {  	_ =	shalt  }
0x7a: {  	_ =	shalt  }
0x7b: {  	_ =	shalt  }
0x7c: {  	_ =	shalt  }
0x7d: {  	_ =	shalt  }
0x7e: {  	_ =	shalt  }
0x7f: {  	_ =	shalt  }
0x80: {  	_ =	shalt  }
0x81: {  	_ =	shalt  }
0x82: {  	_ =	shalt  }
0x83: {  	_ =	shalt  }
0x84: {  	_ =	shalt  }
0x85: {  	_ =	shalt  }
0x86: {  	_ =	shalt  }
0x87: {  	_ =	shalt  }
.Lfunc_end0:
.L_simem_size_0:
called_computation.2_lowered:
.L_overlay_start_0:
0x88: {  	s2 =	sld [smem:$0x3FD9]  }
0x89: {  	s3 =	sld [smem:$0x3FFE];
	_ =	sdelay $0x1  }
0x8a: {  	s1 =	srdreg.scid  }
0x8b: {  	s0 =	sand.u32 $0x1, s1  }
0x8c: {  	s17 =	sshll.u32 s0, $0xA;
	s2 =	sadd.s32 s3, s2  }
0x8d: {  	s2 =	sadd.s32 s2, s17  }
0x8e: {  	[smem:$0x3FC1] =	sst s2  }
0x8f: {  	_ = 	snop  }
0x90: {  	(tm) =	ssettm $0x1  }
0x91: {  	s18 =	sld [smem:$0x3FFB];
	_ =	sdelay $0x3  }
0x92: {  	_ =	strace s18  }
0x93: {  	s2 =	sld [smem:$0x3FFC];
	_ =	sdelay $0x3  }
0x94: {  	_ =	strace s2  }
0x95: {  	s2 =	sld [smem:$0x3FFD];
	_ =	sdelay $0x3  }
0x96: {  	_ =	strace s2  }
0x97: {  	_ =	strace $0x8FFFFFFF  }
0x98: {  	s19 =	sld [smem:$0x3FDB];
	_ =	sdelay $0x1  }
0x99: {  	s20 =	simm.s32 $_scs_section_size  }
0x9a: {  	s4 =	simm.s32 $_size__tile_overlayer_lowered;
	s5 =	simm.s32 $_tile_overlayer_lowered  }
0x9b: {  	s6 =	simm.s32 $0x1BFF;
	s21 =	sshll.u32 s5, $0x1;
	s3 =	sadd.s32 s20, s19  }
0x9c: {  	s22 =	simm.s32 $0x0;
	s4 =	sshll.u32 s4, $0x1;
	s5 =	sadd.s32 s21, s3  }
0x9d: {  	[timem:s22], [sflag:s6] =	dma.local [hbm:s5], s4  }
0x9e: {  	_ =	swait.ge [sflag:s6], s4  }
0x9f: {  	s4 =	ssub.s32 $0x0, s4;
	[sflag:s6] =	ssyncset.done $0x0  }
0xa0: {  	[sflag:s6] =	ssyncadd.s32 s4;
	_ =	sdelay $0x1  }
0xa1: {  	s23 =	simm.s32 $0x1B8B  }
0xa2: {  	_ =	swait.ge [sflag:s23], $0x1  }
0xa3: {  	[sflag:s23] =	ssyncset.done $0x0  }
0xa4: {  	[sflag:s23] =	ssyncadd.s32 $0xFFFFFFFF  }
0xa5: {  	s4 =	sld [smem:$0x0]  }
0xa6: {  	s5 =	sand.u32 $0xFFFFFFFE, s1  }
0xa7: {  	p0 =	sne.s32 s1, s5  }
0xa8: {  	s5 =	sshll.u32 @p0 s5, $0xE  }
0xa9: {  	s5 =	sadd.s32 @p0 $0x11B8D, s5;
	s6 =	sshll.u32 @p0 s4, $0x11  }
0xaa: {  	s5 =	sor.u32 @p0 s6, s5  }
0xab: {  	[sflag:s5] =	ssyncadd.remote.s32 @p0 $0x1;
	_ =	sdelay $0x1  }
0xac: {  	s5 =	simm.s32 @p0 $0x1B8D  }
0xad: {  	_ =	swait.eq @p0 [sflag:s5], $0x1  }
0xae: {  	[sflag:s5] =	ssyncadd.s32 @p0 $0xFFFFFFFF  }
0xaf: {  	s6 =	sshll.u32 @!p0 s1, $0xE  }
0xb0: {  	s6 =	sor.u32 @!p0 $0x4000, s6;
	s5 =	simm.s32 @!p0 $0x1B8D  }
0xb1: {  	s4 =	sshll.u32 @!p0 s4, $0x11;
	s6 =	sadd.s32 @!p0 $0x11B8D, s6;
	_ =	swait.eq @!p0 [sflag:s5], $0x1  }
0xb2: {  	s4 =	sor.u32 @!p0 s4, s6;
	[sflag:s5] =	ssyncadd.s32 @!p0 $0xFFFFFFFF  }
0xb3: {  	s25 =	simm.s32 $0x1B8E;
	s24 =	sld [smem:$0x3FFE];
	[sflag:s4] =	ssyncadd.remote.s32 @!p0 $0x1  }
0xb4: {  	s26 =	simm.s32 $execute0_lowered;
	[smem:$0x3FD2] =	sst s25  }
0xb5: {  	s5 =	sshll.u32 s26, $0x1;
	_ =	strace $0x80000049;
	[dreg:$0x1] =	wrdreg $0xFFFFFFFF  }
0xb6: {  	s28 =	simm.s32 $_size_execute0_lowered;
	s3 =	sadd.s32 s3, s5;
	[dreg:$0x0] =	wrdreg $0x0  }
0xb7: {  	s5 =	sshll.u32 s28, $0x1;
	[dreg:$0x2] =	wrdreg s3  }
0xb8: {  	[dreg:$0x3] =	wrdreg s5  }
0xb9: {  	[dreg:$0x4] =	wrdreg $0xC0  }
0xba: {  	_ =	task [dreg:s22], $0x5FFFF  }
0xbb: {  	[dreg:$0x1] =	wrdreg $0xFFFFFFFF  }
0xbc: {  	[dreg:$0x0] =	wrdreg $0x60  }
0xbd: {  	[dreg:$0x2] =	wrdreg s24  }
0xbe: {  	[dreg:$0x3] =	wrdreg $0xB  }
0xbf: {  	_ =	task.clear_ibuf [dreg:s22], $0x4FFFF;
	_ =	strace $0x90000049  }
0xc0: {  	s29 =	simm.s32 $0xB;
	_ =	strace $0x8000004B  }
0xc1: {  	_ =	swait.ge [sflag:s29], $0x1  }
0xc2: {  	[sflag:s29] =	ssyncadd.s32 $0xFFFFFFFF  }
0xc3: {  	_ =	strace $0x9000004B  }
0xc4: {  	_ =	sfence  }
0xc5: {  	s30 =	sld [smem:$0x0];
	_ =	sdelay $0x2  }
0xc6: {  	s31 =	sshll.u32 s1, $0xD;
	s1 =	sshrl.u32 s1, $0x2  }
0xc7: {  	s4 =	sand.u32 $0x4000, s31;
	s1 =	sadd.s32 s1, s30  }
0xc8: {  	s0 =	sor.u32 s4, s0;
	s1 =	sshll.u32 s1, $0x11  }
0xc9: {  	s0 =	sor.u32 s1, s0  }
0xca: {  	s0 =	sadd.s32 $0x8F2B, s0  }
0xcb: {  	[sflag:s0] =	ssyncadd.remote.s32 $0x1  }
0xcc: {  	_ =	sfence.sel $0xFFFF  }
0xcd: {  	[dreg:$0x0] =	wrdreg $0xFFFFFFFF;
	(pc) =	sbr.abs _section_cstart, $3  }
0xce: {  	[dreg:$0x1] =	wrdreg $0xFFFFFFFF  }
0xcf: {  	_ =	task.clear_ibuf [dreg:s22], $0x2FFFF;
	_ =	strace $0x9FFFFFFF  }
0xd0: {  	(tm) =	ssettm $0x7FFFFFFF  }
0xd1: {  	_ =	shalt  }
tec
execute0_lowered:
.L_overlay_start_1:
0x0: {  	(tag) =	ssettag $0x1  }
0x1: {  	s1 =	srdreg.scid;
	s0 =	stileid.u32  }
0x2: {  	s6 =	sand.u32 $0x1, s1;
	s30 =	sshll.u32 s0, $0x1  }
0x3: {  	s8 =	rddreg [dreg:$0x0];
	s7 =	sor.u32 s6, s30  }
0x4: {  	s2 =	simm.s32 $0x0;
	s1 =	rddreg [dreg:$0x1];
	s3 =	smul.u32 $0x180, s7  }
0x5: {  	[smem:$0x7FF] =	sst s2;
	s5 =	sadd.s32 $0x2A400, s8  }
0x6: {  	_ =	strace $0x8000004A;
	s10 =	ssub.s32 $0x2, s6;
	s3 =	sadd.s32 s3, s8  }
0x7: {  	s6 =	simm.s32 $0x800;
	s4 =	sadd.s32 $0x27400, s3;
	s3 =	simm.s32 $0x2  }
0x8: {  	[tilespmem:s2], [sflag:$0x2] =	stream.linear.gather [hbm4b:s4+s2], $0x800, $0x38;
	[tilespmem:$0x4800] =	vst v63  }
0x9: {  	s9 =	smul.u32 $0xC00, s7;
	s11 =	sshrl.u32 s10, $0x1;
	_ =	swait.ge [sflag:s3], $0x800  }
0xa: {  	s7 =	simm.s32 $0x1;
	s31 =	ssub.s32 s10, s11;
	[sflag:s3] =	ssyncset.done $0x0  }
0xb: {  	s8 =	sadd.s32 s9, s8;
	s9 =	smax.u32 s31, $0x1;
	[sflag:s3] =	ssyncadd.s32 $0xFFFFF800  }
0xc: {  	[tilespmem:s6], [sflag:$0x1] =	stream.indirect.gather [hbm4b:s5+s6], $0x8, s2, s6, $0xb8;
	[tilespmem:$0x4800] =	vst v63  }
0xd: {  	p0 =	sne.s32 s9, $0x1;
	_ =	swait.ge [sflag:s7], $0x4000  }
.Ltmp0:
0xe: {  	[sflag:s7] =	ssyncset.done $0x0;
	(pc) =	sbr.rel @!p0 .LBB2_2-.Ltmp0, $4  }
0xf: {  	s8 =	sadd.s32 $0x32400, s8;
	[sflag:s7] =	ssyncadd.s32 $0xFFFFC000  }
0x10: {  	[hbm4b:s8+s2] =	stream.linear.scatter [tilespmem:s6], [sflag:$0x2], $0x4000, $0x38;
	[tilespmem:$0x4800] =	vst v63  }
0x11: {  	_ =	swait.ge [sflag:s3], $0x4000  }
0x12: {  	s9 =	sadd.s32 $0xFFFFFFFF, s9;
	[sflag:s3] =	ssyncset.done $0x0  }
.LBB2_1:
0x13: {  	p0 =	sne.s32 s9, $0x1;
	s9 =	sadd.s32 $0xFFFFFFFF, s9;
	[sflag:s3] =	ssyncadd.s32 $0xFFFFC000  }
0x14: {  	[tilespmem:s2], [sflag:$0x2] =	stream.linear.gather [hbm4b:s4+s2], $0x800, $0x38;
	[tilespmem:$0x4800] =	vst v63  }
0x15: {  	_ =	swait.ge [sflag:s3], $0x800  }
0x16: {  	[sflag:s3] =	ssyncset.done $0x0  }
0x17: {  	[sflag:s3] =	ssyncadd.s32 $0xFFFFF800  }
0x18: {  	[tilespmem:s6], [sflag:$0x1] =	stream.indirect.gather [hbm4b:s5+s6], $0x8, s2, s6, $0xb8;
	[tilespmem:$0x4800] =	vst v63  }
0x19: {  	_ =	swait.ge [sflag:s7], $0x4000  }
.Ltmp1:
0x1a: {  	[sflag:s7] =	ssyncset.done $0x0;
	(pc) =	sbr.rel @p0 .LBB2_1-.Ltmp1, $4  }
0x1b: {  	[sflag:s7] =	ssyncadd.s32 $0xFFFFC000  }
0x1c: {  	[hbm4b:s8+s2] =	stream.linear.scatter [tilespmem:s6], [sflag:$0x2], $0x4000, $0x38;
	[tilespmem:$0x4800] =	vst v63  }
0x1d: {  	_ =	swait.ge [sflag:s3], $0x4000  }
0x1e: {  	[sflag:s3] =	ssyncset.done $0x0  }
.LBB2_2:
0x1f: {  	[sflag:s3] =	ssyncadd.s32 $0xFFFFC000  }
0x20: {  	_ =	sfence.sel $0x180000  }
0x21: {  	[bflag:$0x0] =	sbarrier.arrive $0xFFFF  }
0x22: {  	p0 =	sne.s32 s0, $0x0;
	_ =	strace $0x9000004A  }
0x23: {  	s0 =	sadd.s32 @!p0 $0x100000, s1;
	[bflag:$0x2] =	sbarrier.arrive $0xFFFF  }
0x24: {  	[sflag:s0] =	ssyncadd.tile.s32 @!p0 $0x1;
	_ =	shalt  }
.Lfunc_end2:
_tile_overlayer_lowered:
.L_overlay_start_2:
0x25: {  	(tag) =	ssettag $0x2  }
0x26: {  	s0 =	rddreg [dreg:$0x0];
	s2 =	stileid.u32  }
0x27: {  	s1 =	rddreg [dreg:$0x1];
	p0 =	sne.s32 s2, $0x0  }
0x28: {  	s3 =	rddreg [dreg:$0x2];
	[bflag:$0x3] =	sbarrier.arrive $0xFFFF;
	s2 =	simm.s32 @!p0 $0x1C02  }
0x29: {  	[timem:s3], [sflag:s2] =	dma.local @!p0 [hbm:s0], s1  }
0x2a: {  	s0 =	simm.s32 @!p0 $0x2  }
0x2b: {  	_ =	swait.ge @!p0 [sflag:s0], s1  }
0x2c: {  	s1 =	ssub.s32 @!p0 $0x0, s1;
	[sflag:s0] =	ssyncset.done @!p0 $0x0  }
0x2d: {  	[sflag:s0] =	ssyncadd.s32 @!p0 s1  }
0x2e: {  	[bflag:$0x3] =	sbarrier.arrive $0xFFFF  }
0x2f: {  	_ =	shalt  }

// kernel: kernel.23.cloned.1.call-start
scs
__scs_entry_jumppad:
0x0: {  	(pc) =	sbr.rel $0x88, $3  }
0x1: {  	(tag) =	ssettag $0x0;
	lr =	simm.s32 $0x1  }
0x2: {  	[smem:$0x3F9A] =	sst lr;
	_ =	strace $0xD0000000  }
0x3: {  	_ = 	snop  }
0x4: {  	_ = 	snop  }
0x5: {  	_ = 	snop  }
0x6: {  	_ = 	snop  }
0x7: {  	_ = 	snop  }
__scs_overlays_trampoline_lowered:
0x8: {  	[smem:$0x3FA9] =	sst s0  }
0x9: {  	[smem:$0x3FAA] =	sst s1  }
0xa: {  	[smem:$0x3FAB] =	sst s2  }
0xb: {  	[smem:$0x3FAC] =	sst s3  }
0xc: {  	[smem:$0x3FAD] =	sst s4  }
0xd: {  	[smem:$0x3FAE] =	sst s5  }
0xe: {  	[smem:$0x3FAF] =	sst s6  }
0xf: {  	[smem:$0x3FB0] =	sst s7  }
0x10: {  	[smem:$0x3FB1] =	sst s8  }
0x11: {  	[smem:$0x3FB2] =	sst s9;
	s0 =	simm.s32 @!p0 $0x0  }
0x12: {  	s1 =	sld [smem:$0x3F98];
	s0 =	simm.s32 @p0 $0x1  }
0x13: {  	[smem:$0x3FB3] =	sst s0;
	s0 =	simm.s32 @!p1 $0x0  }
0x14: {  	s2 =	sld [smem:$0x3F97];
	s0 =	simm.s32 @p1 $0x1  }
0x15: {  	[smem:$0x3FB4] =	sst s0;
	s0 =	simm.s32 @!p2 $0x0  }
0x16: {  	s3 =	sld [smem:$0x3FDB];
	s0 =	simm.s32 @p2 $0x1  }
0x17: {  	s4 =	simm.s32 $0x1BF5;
	[smem:$0x3FB6] =	sst s0  }
0x18: {  	s0 =	sld [smem:$0x3F99];
	_ =	swait.ge [sflag:s4], $0x0  }
0x19: {  	s7 =	sld [smem:$0x3F9A]  }
0x1a: {  	s8 =	sadd.s32 $0xFFFFE003, lr  }
0x1b: {  	s9 =	sadd.s32 $0xFFFFFEF7, lr;
	s5 =	simm.s32 $0xFFFFFFFF;
	p2 =	slt.u32 s8, $0xFFFFF086  }
0x1c: {  	p1 =	slt.u32 s9, $0xF7A;
	s5 =	simm.s32 @!p2 $0x0  }
0x1d: {  	s5 =	simm.s32 @p1 $0x1;
	p0 =	seq.s32 s7, s2  }
0x1e: {  	s7 =	smul.u32 @!p0 $0xF7A, s2;
	p2 =	seq.s32 @!p0 s5, $0x0  }
0x1f: {  	s9 =	smul.u32 $0xF7A, s1;
	s8 =	simm.s32 @!p0 $0x1BF5;
	p2 =	por !p2, p0  }
0x20: {  	[sflag:s8] =	ssyncset.s32 @!p0 $0xFFFFF086;
	s6 =	sadd.s32 @!p0 s3, s7;
	s7 =	simm.s32 @!p0 $0x108  }
0x21: {  	s3 =	sadd.s32 s3, s9;
	s6 =	sadd.s32 @!p0 $0x88, s6;
	s7 =	simm.s32 @p2 $0x1082  }
0x22: {  	[simem:s7], [sflag:s8] =	dma.local @!p0 [hbm:s6], $0xF7A  }
0x23: {  	s9 =	sor.u32 $0xD0000000, s2;
	s6 =	simm.s32 $0x108;
	_ =	swait.ge @!p0 [sflag:s8], $0x0  }
0x24: {  	s3 =	sadd.s32 $0x88, s3;
	s6 =	simm.s32 @!p1 $0x1082;
	[sflag:s4] =	ssyncset.s32 $0xFFFFF086  }
0x25: {  	[simem:s6], [sflag:s4] =	dma.local [hbm:s3], $0xF7A  }
0x26: {  	[smem:$0x3F9A] =	sst s1;
	(tag) =	ssettag s2;
	_ =	strace s9  }
0x27: {  	s1 =	sld [smem:$0x3FAA]  }
0x28: {  	s2 =	sld [smem:$0x3FAB]  }
0x29: {  	s4 =	sld [smem:$0x3FAD]  }
0x2a: {  	p0 =	seq.s32 s5, $0x0;
	s5 =	sld [smem:$0x3FAE]  }
0x2b: {  	s6 =	sld [smem:$0x3FAF]  }
0x2c: {  	s7 =	sld [smem:$0x3FB0]  }
0x2d: {  	s3 =	simm.s32 $0x108;
	s8 =	sld [smem:$0x3FB1]  }
0x2e: {  	s3 =	simm.s32 @!p0 $0x1082;
	s9 =	sld [smem:$0x3FB2]  }
0x2f: {  	lr =	sadd.s32 s0, s3;
	s0 =	sld [smem:$0x3FA9]  }
0x30: {  	s3 =	sld [smem:$0x3FAC]  }
0x31: {  	[smem:$0x3FB5] =	sst s10  }
0x32: {  	s10 =	sld [smem:$0x3FB3];
	_ =	sdelay $0x3  }
0x33: {  	p0 =	seq.s32 s10, $0x1;
	s10 =	sld [smem:$0x3FB5];
	_ =	sdelay $0x3  }
0x34: {  	[smem:$0x3FB5] =	sst s10  }
0x35: {  	s10 =	sld [smem:$0x3FB4];
	_ =	sdelay $0x3  }
0x36: {  	p1 =	seq.s32 s10, $0x1;
	s10 =	sld [smem:$0x3FB5];
	_ =	sdelay $0x3  }
0x37: {  	[smem:$0x3FB5] =	sst s10  }
0x38: {  	s10 =	sld [smem:$0x3FB6]  }
0x39: {  	_ = 	snop;
	(pc) =	sbr.ind lr, $3  }
0x3a: {  	_ = 	snop  }
0x3b: {  	_ = 	snop  }
0x3c: {  	p2 =	seq.s32 s10, $0x1;
	s10 =	sld [smem:$0x3FB5]  }
0x3d: {  	_ =	shalt  }
0x3e: {  	_ =	shalt  }
0x3f: {  	_ =	shalt  }
0x40: {  	_ =	shalt  }
0x41: {  	_ =	shalt  }
0x42: {  	_ =	shalt  }
0x43: {  	_ =	shalt  }
0x44: {  	_ =	shalt  }
0x45: {  	_ =	shalt  }
0x46: {  	_ =	shalt  }
0x47: {  	_ =	shalt  }
0x48: {  	_ =	shalt  }
0x49: {  	_ =	shalt  }
0x4a: {  	_ =	shalt  }
0x4b: {  	_ =	shalt  }
0x4c: {  	_ =	shalt  }
0x4d: {  	_ =	shalt  }
0x4e: {  	_ =	shalt  }
0x4f: {  	_ =	shalt  }
0x50: {  	_ =	shalt  }
0x51: {  	_ =	shalt  }
0x52: {  	_ =	shalt  }
0x53: {  	_ =	shalt  }
0x54: {  	_ =	shalt  }
0x55: {  	_ =	shalt  }
0x56: {  	_ =	shalt  }
0x57: {  	_ =	shalt  }
0x58: {  	_ =	shalt  }
0x59: {  	_ =	shalt  }
0x5a: {  	_ =	shalt  }
0x5b: {  	_ =	shalt  }
0x5c: {  	_ =	shalt  }
0x5d: {  	_ =	shalt  }
0x5e: {  	_ =	shalt  }
0x5f: {  	_ =	shalt  }
0x60: {  	_ =	shalt  }
0x61: {  	_ =	shalt  }
0x62: {  	_ =	shalt  }
0x63: {  	_ =	shalt  }
0x64: {  	_ =	shalt  }
0x65: {  	_ =	shalt  }
0x66: {  	_ =	shalt  }
0x67: {  	_ =	shalt  }
0x68: {  	_ =	shalt  }
0x69: {  	_ =	shalt  }
0x6a: {  	_ =	shalt  }
0x6b: {  	_ =	shalt  }
0x6c: {  	_ =	shalt  }
0x6d: {  	_ =	shalt  }
0x6e: {  	_ =	shalt  }
0x6f: {  	_ =	shalt  }
0x70: {  	_ =	shalt  }
0x71: {  	_ =	shalt  }
0x72: {  	_ =	shalt  }
0x73: {  	_ =	shalt  }
0x74: {  	_ =	shalt  }
0x75: {  	_ =	shalt  }
0x76: {  	_ =	shalt  }
0x77: {  	_ =	shalt  }
0x78: {  	_ =	shalt  }
0x79: {  	_ =	shalt  }
0x7a: {  	_ =	shalt  }
0x7b: {  	_ =	shalt  }
0x7c: {  	_ =	shalt  }
0x7d: {  	_ =	shalt  }
0x7e: {  	_ =	shalt  }
0x7f: {  	_ =	shalt  }
0x80: {  	_ =	shalt  }
0x81: {  	_ =	shalt  }
0x82: {  	_ =	shalt  }
0x83: {  	_ =	shalt  }
0x84: {  	_ =	shalt  }
0x85: {  	_ =	shalt  }
0x86: {  	_ =	shalt  }
0x87: {  	_ =	shalt  }
.Lfunc_end0:
.L_simem_size_0:
called_computation.3_lowered:
.L_overlay_start_0:
0x88: {  	s2 =	sld [smem:$0x3FD9]  }
0x89: {  	s3 =	sld [smem:$0x3FFE];
	_ =	sdelay $0x1  }
0x8a: {  	s1 =	srdreg.scid  }
0x8b: {  	s0 =	sand.u32 $0x1, s1  }
0x8c: {  	s16 =	sshll.u32 s0, $0xA;
	s2 =	sadd.s32 s3, s2  }
0x8d: {  	s2 =	sadd.s32 s2, s16  }
0x8e: {  	[smem:$0x3FC1] =	sst s2  }
0x8f: {  	_ = 	snop  }
0x90: {  	(tm) =	ssettm $0x1  }
0x91: {  	s17 =	sld [smem:$0x3FFB];
	_ =	sdelay $0x3  }
0x92: {  	_ =	strace s17  }
0x93: {  	s2 =	sld [smem:$0x3FFC];
	_ =	sdelay $0x3  }
0x94: {  	_ =	strace s2  }
0x95: {  	s2 =	sld [smem:$0x3FFD];
	_ =	sdelay $0x3  }
0x96: {  	_ =	strace s2  }
0x97: {  	_ =	strace $0x8FFFFFFF  }
0x98: {  	s18 =	sld [smem:$0x3FDB];
	_ =	sdelay $0x1  }
0x99: {  	s19 =	simm.s32 $_scs_section_size  }
0x9a: {  	s4 =	simm.s32 $_size__tile_overlayer_lowered;
	s5 =	simm.s32 $_tile_overlayer_lowered  }
0x9b: {  	s22 =	simm.s32 $0x1BFF;
	s21 =	sshll.u32 s5, $0x1;
	s2 =	sadd.s32 s19, s18  }
0x9c: {  	s6 =	simm.s32 $0x0;
	s20 =	sshll.u32 s4, $0x1;
	s4 =	sadd.s32 s21, s2  }
0x9d: {  	[timem:s6], [sflag:s22] =	dma.local [hbm:s4], s20  }
0x9e: {  	_ =	swait.ge [sflag:s22], s20  }
0x9f: {  	s3 =	ssub.s32 $0x0, s20;
	[sflag:s22] =	ssyncset.done $0x0  }
0xa0: {  	[sflag:s22] =	ssyncadd.s32 s3;
	_ =	sdelay $0x1  }
0xa1: {  	s23 =	simm.s32 $0x1B8B  }
0xa2: {  	_ =	swait.ge [sflag:s23], $0x1  }
0xa3: {  	[sflag:s23] =	ssyncset.done $0x0  }
0xa4: {  	s25 =	simm.s32 $0x1B8E;
	s24 =	sld [smem:$0x3FFE];
	[sflag:s23] =	ssyncadd.s32 $0xFFFFFFFF  }
0xa5: {  	s26 =	simm.s32 $execute0_lowered;
	[smem:$0x3FD2] =	sst s25  }
0xa6: {  	s4 =	sshll.u32 s26, $0x1;
	_ =	strace $0x80000046;
	[dreg:$0x1] =	wrdreg $0xFFFFFFFF  }
0xa7: {  	s28 =	simm.s32 $_size_execute0_lowered;
	s2 =	sadd.s32 s2, s4;
	[dreg:$0x0] =	wrdreg $0x0  }
0xa8: {  	s4 =	sshll.u32 s28, $0x1;
	[dreg:$0x2] =	wrdreg s2  }
0xa9: {  	[dreg:$0x3] =	wrdreg s4  }
0xaa: {  	[dreg:$0x4] =	wrdreg $0xC0  }
0xab: {  	_ =	task [dreg:s6], $0x5FFFF  }
0xac: {  	[dreg:$0x1] =	wrdreg $0xFFFFFFFF  }
0xad: {  	[dreg:$0x0] =	wrdreg $0x60  }
0xae: {  	[dreg:$0x2] =	wrdreg s24  }
0xaf: {  	[dreg:$0x3] =	wrdreg $0xC  }
0xb0: {  	_ =	task.clear_ibuf [dreg:s6], $0x4FFFF;
	_ =	strace $0x90000046  }
0xb1: {  	s29 =	simm.s32 $0xC;
	_ =	strace $0x80000048  }
0xb2: {  	_ =	swait.ge [sflag:s29], $0x1  }
0xb3: {  	[sflag:s29] =	ssyncadd.s32 $0xFFFFFFFF  }
0xb4: {  	_ =	strace $0x90000048  }
0xb5: {  	_ =	sfence  }
0xb6: {  	s30 =	sld [smem:$0x0];
	_ =	sdelay $0x2  }
0xb7: {  	s31 =	sshll.u32 s1, $0xD;
	s1 =	sshrl.u32 s1, $0x2  }
0xb8: {  	s3 =	sand.u32 $0x4000, s31;
	s1 =	sadd.s32 s1, s30  }
0xb9: {  	s0 =	sor.u32 s3, s0;
	s1 =	sshll.u32 s1, $0x11  }
0xba: {  	s0 =	sor.u32 s1, s0  }
0xbb: {  	s0 =	sadd.s32 $0x8F2B, s0  }
0xbc: {  	[sflag:s0] =	ssyncadd.remote.s32 $0x1  }
0xbd: {  	_ =	sfence.sel $0xFFFF  }
0xbe: {  	[dreg:$0x0] =	wrdreg $0xFFFFFFFF;
	(pc) =	sbr.abs _section_cstart, $3  }
0xbf: {  	[dreg:$0x1] =	wrdreg $0xFFFFFFFF  }
0xc0: {  	_ =	task.clear_ibuf [dreg:s6], $0x2FFFF;
	_ =	strace $0x9FFFFFFF  }
0xc1: {  	(tm) =	ssettm $0x7FFFFFFF  }
tec
execute0_lowered:
.L_overlay_start_1:
0x0: {  	(tag) =	ssettag $0x1  }
0x1: {  	s1 =	srdreg.scid;
	s0 =	stileid.u32  }
0x2: {  	s6 =	sand.u32 $0x1, s1;
	s30 =	sshll.u32 s0, $0x1  }
0x3: {  	s8 =	rddreg [dreg:$0x0];
	s7 =	sor.u32 s6, s30  }
0x4: {  	s2 =	simm.s32 $0x0;
	s1 =	rddreg [dreg:$0x1];
	s3 =	smul.u32 $0x180, s7  }
0x5: {  	[smem:$0x7FF] =	sst s2;
	s5 =	sadd.s32 $0x7400, s8  }
0x6: {  	_ =	strace $0x80000047;
	s10 =	ssub.s32 $0x2, s6;
	s3 =	sadd.s32 s3, s8  }
0x7: {  	s6 =	simm.s32 $0x800;
	s4 =	sadd.s32 $0x4400, s3;
	s3 =	simm.s32 $0x2  }
0x8: {  	[tilespmem:s2], [sflag:$0x2] =	stream.linear.gather [hbm4b:s4+s2], $0x800, $0x38;
	[tilespmem:$0x4800] =	vst v63  }
0x9: {  	s9 =	smul.u32 $0xC00, s7;
	s11 =	sshrl.u32 s10, $0x1;
	_ =	swait.ge [sflag:s3], $0x800  }
0xa: {  	s7 =	simm.s32 $0x1;
	s31 =	ssub.s32 s10, s11;
	[sflag:s3] =	ssyncset.done $0x0  }
0xb: {  	s8 =	sadd.s32 s9, s8;
	s9 =	smax.u32 s31, $0x1;
	[sflag:s3] =	ssyncadd.s32 $0xFFFFF800  }
0xc: {  	[tilespmem:s6], [sflag:$0x1] =	stream.indirect.gather [hbm4b:s5+s6], $0x8, s2, s6, $0xb8;
	[tilespmem:$0x4800] =	vst v63  }
0xd: {  	p0 =	sne.s32 s9, $0x1;
	_ =	swait.ge [sflag:s7], $0x4000  }
.Ltmp0:
0xe: {  	[sflag:s7] =	ssyncset.done $0x0;
	(pc) =	sbr.rel @!p0 .LBB2_2-.Ltmp0, $4  }
0xf: {  	s8 =	sadd.s32 $0xF400, s8;
	[sflag:s7] =	ssyncadd.s32 $0xFFFFC000  }
0x10: {  	[hbm4b:s8+s2] =	stream.linear.scatter [tilespmem:s6], [sflag:$0x2], $0x4000, $0x38;
	[tilespmem:$0x4800] =	vst v63  }
0x11: {  	_ =	swait.ge [sflag:s3], $0x4000  }
0x12: {  	s9 =	sadd.s32 $0xFFFFFFFF, s9;
	[sflag:s3] =	ssyncset.done $0x0  }
.LBB2_1:
0x13: {  	p0 =	sne.s32 s9, $0x1;
	s9 =	sadd.s32 $0xFFFFFFFF, s9;
	[sflag:s3] =	ssyncadd.s32 $0xFFFFC000  }
0x14: {  	[tilespmem:s2], [sflag:$0x2] =	stream.linear.gather [hbm4b:s4+s2], $0x800, $0x38;
	[tilespmem:$0x4800] =	vst v63  }
0x15: {  	_ =	swait.ge [sflag:s3], $0x800  }
0x16: {  	[sflag:s3] =	ssyncset.done $0x0  }
0x17: {  	[sflag:s3] =	ssyncadd.s32 $0xFFFFF800  }
0x18: {  	[tilespmem:s6], [sflag:$0x1] =	stream.indirect.gather [hbm4b:s5+s6], $0x8, s2, s6, $0xb8;
	[tilespmem:$0x4800] =	vst v63  }
0x19: {  	_ =	swait.ge [sflag:s7], $0x4000  }
.Ltmp1:
0x1a: {  	[sflag:s7] =	ssyncset.done $0x0;
	(pc) =	sbr.rel @p0 .LBB2_1-.Ltmp1, $4  }
0x1b: {  	[sflag:s7] =	ssyncadd.s32 $0xFFFFC000  }
0x1c: {  	[hbm4b:s8+s2] =	stream.linear.scatter [tilespmem:s6], [sflag:$0x2], $0x4000, $0x38;
	[tilespmem:$0x4800] =	vst v63  }
0x1d: {  	_ =	swait.ge [sflag:s3], $0x4000  }
0x1e: {  	[sflag:s3] =	ssyncset.done $0x0  }
.LBB2_2:
0x1f: {  	[sflag:s3] =	ssyncadd.s32 $0xFFFFC000  }
0x20: {  	_ =	sfence.sel $0x180000  }
0x21: {  	[bflag:$0x0] =	sbarrier.arrive $0xFFFF  }
0x22: {  	p0 =	sne.s32 s0, $0x0;
	_ =	strace $0x90000047  }
0x23: {  	s0 =	sadd.s32 @!p0 $0x100000, s1;
	[bflag:$0x2] =	sbarrier.arrive $0xFFFF  }
0x24: {  	[sflag:s0] =	ssyncadd.tile.s32 @!p0 $0x1;
	_ =	shalt  }
.Lfunc_end2:
_tile_overlayer_lowered:
.L_overlay_start_2:
0x25: {  	(tag) =	ssettag $0x2  }
0x26: {  	s0 =	rddreg [dreg:$0x0];
	s2 =	stileid.u32  }
0x27: {  	s1 =	rddreg [dreg:$0x1];
	p0 =	sne.s32 s2, $0x0  }
0x28: {  	s3 =	rddreg [dreg:$0x2];
	[bflag:$0x3] =	sbarrier.arrive $0xFFFF;
	s2 =	simm.s32 @!p0 $0x1C02  }
0x29: {  	[timem:s3], [sflag:s2] =	dma.local @!p0 [hbm:s0], s1  }
0x2a: {  	s0 =	simm.s32 @!p0 $0x2  }
0x2b: {  	_ =	swait.ge @!p0 [sflag:s0], s1  }
0x2c: {  	s1 =	ssub.s32 @!p0 $0x0, s1;
	[sflag:s0] =	ssyncset.done @!p0 $0x0  }
0x2d: {  	[sflag:s0] =	ssyncadd.s32 @!p0 s1  }
0x2e: {  	[bflag:$0x3] =	sbarrier.arrive $0xFFFF  }
0x2f: {  	_ =	shalt  }

</sc_bundles>
